<compile_context>
chip_gen: v7x
topology: tpu7x:2x2x1
jax: 0.10.2.dev20260603
libtpu: 0.0.44.dev20260713+nightly
codegen_flags: <defaults>
</compile_context>

<pallas_src>
import functools

import jax
import jax.numpy as jnp
from jax import lax
from jax.experimental import pallas as pl
from jax.experimental.pallas import tpu as pltpu
from jax.experimental.pallas import tpu_sc as plsc

R = 64
NB_LANGS = 64


def _mm_body(*refs):
    nused_ref = refs[3]
    x_refs = refs[4:4 + R]
    w_ref = refs[4 + R]
    o_ref = refs[5 + R]
    g = pl.program_id(0)

    @pl.when(g < nused_ref[0])
    def _():
        x = jnp.concatenate([xr[0] for xr in x_refs], axis=0)
        y = jax.lax.dot_general(
            x, w_ref[0],
            dimension_numbers=(((1,), (1,)), ((), ())),
            preferred_element_type=jnp.float32,
        )
        o_ref[...] = y.reshape(o_ref.shape)


def _grouped_matmul(right_emb, mapping, row_src, block_lang, out_blk, nused, G):
    _, T, D = right_emb.shape

    def x_map(j):
        return lambda g, src, langs, oblk, nu: (src[R * g + j], 0, 0)

    grid_spec = pltpu.PrefetchScalarGridSpec(
        num_scalar_prefetch=4,
        grid=(G,),
        in_specs=(
            [pl.BlockSpec((1, T, D), x_map(j)) for j in range(R)]
            + [pl.BlockSpec((1, D, D), lambda g, src, langs, oblk, nu: (langs[g], 0, 0))]
        ),
        out_specs=pl.BlockSpec(
            (R, T, D), lambda g, src, langs, oblk, nu: (oblk[g], 0, 0)),
    )
    return pl.pallas_call(
        _mm_body,
        grid_spec=grid_spec,
        out_shape=jax.ShapeDtypeStruct((G * R, T, D), jnp.float32),
    )(row_src, block_lang, out_blk, nused, *([right_emb] * R), mapping)


def _sc_unpermute(ys, idx, n_rows, T, D):
    info = plsc.get_sparse_core_info()
    NW = info.num_cores * info.num_subcores
    per_w = n_rows // NW
    CH = 8
    n_chunks = per_w // CH
    mesh = plsc.VectorSubcoreMesh(core_axis_name="c", subcore_axis_name="s")

    @functools.partial(
        pl.kernel,
        mesh=mesh,
        out_type=jax.ShapeDtypeStruct((n_rows, T, D), jnp.float32),
        scratch_types=[
            pltpu.VMEM((CH,), jnp.int32),
            pltpu.VMEM((CH, T, D), jnp.float32),
            pltpu.SemaphoreType.DMA,
        ],
    )
    def gk(ys_hbm, idx_hbm, out_hbm, idx_v, rows_v, sem):
        wid = lax.axis_index("s") * info.num_cores + lax.axis_index("c")
        base = wid * per_w

        def body(c, carry):
            off = base + c * CH
            pltpu.sync_copy(idx_hbm.at[pl.ds(off, CH)], idx_v)
            pltpu.async_copy(ys_hbm.at[idx_v], rows_v, sem).wait()
            pltpu.sync_copy(rows_v, out_hbm.at[pl.ds(off, CH)])
            return carry

        lax.fori_loop(0, n_chunks, body, 0)

    return gk(ys, idx)


def _prep_body(ids_ref, slot_ref, blang_ref, oblk_ref, nused_ref):
    B = ids_ref.shape[1]
    G = blang_ref.shape[1]
    ids = ids_ref[...]
    l_iota = jax.lax.broadcasted_iota(jnp.int32, (NB_LANGS, B), 0)
    oh = (jnp.broadcast_to(ids, (NB_LANGS, B)) == l_iota).astype(jnp.int32)

    incl = oh
    k = 1
    while k < B:
        shifted = jnp.concatenate(
            [jnp.zeros((NB_LANGS, k), jnp.int32), incl[:, :B - k]], axis=1)
        incl = incl + shifted
        k *= 2

    rank = jnp.sum((incl - oh) * oh, axis=0, keepdims=True)
    counts = incl[:, B - 1:B]
    nblk = (counts + R - 1) // R

    cum = nblk
    k = 1
    while k < NB_LANGS:
        shifted = jnp.concatenate(
            [jnp.zeros((k, 1), jnp.int32), cum[:NB_LANGS - k, :]], axis=0)
        cum = cum + shifted
        k *= 2
    blk_start = cum - nblk

    lookup = jnp.sum(oh * blk_start, axis=0, keepdims=True)
    slot_ref[...] = lookup * R + rank

    g_iota = jax.lax.broadcasted_iota(jnp.int32, (1, G), 1)
    bl = jnp.sum((jnp.broadcast_to(cum, (NB_LANGS, G))
                  <= jnp.broadcast_to(g_iota, (NB_LANGS, G))).astype(jnp.int32),
                 axis=0, keepdims=True)
    blang_ref[...] = jnp.minimum(bl, NB_LANGS - 1)
    nused = cum[NB_LANGS - 1:NB_LANGS, :]
    nused_ref[...] = nused
    oblk_ref[...] = jnp.minimum(g_iota, jnp.broadcast_to(nused, (1, G)) - 1)


def _routing_prep(pair_id, B, G):
    ids_row = pair_id.reshape(1, B)
    return pl.pallas_call(
        _prep_body,
        grid=(1,),
        in_specs=[pl.BlockSpec((1, B), lambda i: (0, 0))],
        out_specs=[
            pl.BlockSpec((1, B), lambda i: (0, 0)),
            pl.BlockSpec((1, G), lambda i: (0, 0)),
            pl.BlockSpec((1, G), lambda i: (0, 0)),
            pl.BlockSpec((1, 1), lambda i: (0, 0)),
        ],
        out_shape=[
            jax.ShapeDtypeStruct((1, B), jnp.int32),
            jax.ShapeDtypeStruct((1, G), jnp.int32),
            jax.ShapeDtypeStruct((1, G), jnp.int32),
            jax.ShapeDtypeStruct((1, 1), jnp.int32),
        ],
    )(ids_row)


def kernel(right_emb, pair_id, mapping):
    B, T, D = right_emb.shape
    G = B // R + NB_LANGS

    slot2, blang2, oblk2, nused2 = _routing_prep(pair_id, B, G)
    slot_of = slot2.reshape(B)
    block_lang = blang2.reshape(G)
    out_blk = oblk2.reshape(G)
    nused = nused2.reshape(1)

    row_src = (
        jnp.zeros((G * R,), jnp.int32)
        .at[slot_of].set(jnp.arange(B, dtype=jnp.int32),
                         unique_indices=True,
                         mode="promise_in_bounds")
    )

    ys = _grouped_matmul(
        right_emb, mapping, row_src, block_lang, out_blk, nused, G)

    return _sc_unpermute(ys, slot_of, B, T, D)

# --- scband reference (transcript-rebuilt; emitter-appended) ---
"""Pipeline reference for scband-multiple-mappings-5952824672291 (READ-ONLY COPY).

The authoritative reference and input builder live on the scoring server;
editing this copy changes nothing except your own understanding.
"""

import jax, jax.numpy as jnp
import numpy as np

NB_LANGS = 64
DIM = 1024
B = 4096
T = 4


def setup_inputs(seed: int = 0) -> dict:
    key = jax.random.key(seed)
    k1, k2 = jax.random.split(key)
    right_emb = jax.random.normal(k1, (B, T, DIM), dtype=jnp.float32)
    pair_id = jax.random.randint(k2, (B, 1), 0, NB_LANGS, dtype=jnp.int32)
    # Learned parameter: per-language mapping matrices, reset_with_identity=True
    mapping = jnp.broadcast_to(jnp.eye(DIM, dtype=jnp.float32), (NB_LANGS, DIM, DIM)).copy()
    return {"right_emb": right_emb, "pair_id": pair_id, "mapping": mapping}


def reference(right_emb, pair_id, mapping):
    # Vectorized, faithful translation of the per-row python loop:
    #   res[i] = right_emb[i] @ mapping[pair_id[i,0]].T   (F.linear, no bias)
    #   res[i] = right_emb[i]                              if pair_id[i,0] == -1
    ids = pair_id[:, 0]
    safe_ids = jnp.where(ids < 0, 0, ids)
    W = jnp.take(mapping, safe_ids, axis=0)  # gather [B, DIM, DIM]
    mapped = jnp.einsum('btd,bed->bte', right_emb, W)  # x @ W^T per row
    mask = (ids == -1)[:, None, None]
    return jnp.where(mask, right_emb, mapped)

if __name__ == "__main__":
    import jax
    _d = setup_inputs()
    print(jax.jit(kernel)(*tuple(_d.values())))

</pallas_src>

<mosaic_0001>
#map = affine_map<(d0, d1) -> (0, 0, 0)>
#map1 = affine_map<(d0, d1) -> (0)>
module attributes {stable_mosaic.version = 14 : i64} {
  func.func @gk(%arg0: i32, %arg1: i32, %arg2: memref<8192x4x1024xf32, #tpu.memory_space<hbm>>, %arg3: memref<4096xi32, #tpu.memory_space<hbm>>, %arg4: memref<4096x4x1024xf32, #tpu.memory_space<hbm>>, %arg5: memref<8xi32, #tpu.memory_space<vmem>>, %arg6: memref<8x4x1024xf32, #tpu.memory_space<vmem>>, %arg7: memref<!tpu.dma_semaphore, #tpu.memory_space<semaphore_mem>>) attributes {dimension_semantics = [#tpu.dimension_semantics<core_parallel>, #tpu.dimension_semantics<subcore_parallel>], iteration_bounds = array<i64: 2, 16>, scalar_prefetch = 0 : i64, scratch_operands = 3 : i64, tpu.core_type = #tpu.core_type<sc_vector_subcore>, window_params = [{transform_indices = #map}, {transform_indices = #map1}, {transform_indices = #map}]} {
    %mul3A = arith.constant 2 : i32
    %mul3A_0 = arith.muli %arg1, %mul3A : i32
    %add3A = arith.addi %mul3A_0, %arg0 : i32
    %mul3A_1 = arith.constant 128 : i32
    %mul3A_2 = arith.muli %add3A, %mul3A_1 : i32
    %scan3A = arith.constant 0 : i32
    %scan3A_3 = arith.constant 0 : i32
    %scan3A_4 = arith.constant 16 : i32
    %scan3A_5 = arith.addi %scan3A_3, %scan3A_4 : i32
    %scan3A_6 = arith.constant 1 : i32
    scf.for %scan3A_8 = %scan3A_3 to %scan3A_5 step %scan3A_6  : i32 {
      %mul3A_9 = arith.constant 8 : i32
      %mul3A_10 = arith.muli %scan3A_8, %mul3A_9 : i32
      %add3A_11 = arith.addi %mul3A_2, %mul3A_10 : i32
      "tpu.region"() ({
        %run_scoped3A = tpu.sem_alloc : memref<!tpu.dma_semaphore, #tpu.memory_space<semaphore_mem>>
        %dma_start3A_18 = tpu.memref_slice %arg3[%add3A_11] : memref<4096xi32, #tpu.memory_space<hbm>> -> memref<8xi32, #tpu.memory_space<hbm>>
        %dma_start3A_19 = tpu.memref_slice %arg3[%add3A_11] : memref<4096xi32, #tpu.memory_space<hbm>> -> memref<8xi32, #tpu.memory_space<hbm>>
        tpu.enqueue_dma source(%dma_start3A_19 : memref<8xi32, #tpu.memory_space<hbm>>) target(%arg5 : memref<8xi32, #tpu.memory_space<vmem>>) target_semaphore(%run_scoped3A : memref<!tpu.dma_semaphore, #tpu.memory_space<semaphore_mem>>)
        %dma_wait3A_20 = tpu.memref_slice %arg3[%add3A_11] : memref<4096xi32, #tpu.memory_space<hbm>> -> memref<8xi32, #tpu.memory_space<hbm>>
        %dma_wait3A_21 = tpu.memref_slice %arg3[%add3A_11] : memref<4096xi32, #tpu.memory_space<hbm>> -> memref<8xi32, #tpu.memory_space<hbm>>
        tpu.wait_dma2 semaphore(%run_scoped3A : memref<!tpu.dma_semaphore, #tpu.memory_space<semaphore_mem>>) src(%dma_wait3A_21 : memref<8xi32, #tpu.memory_space<hbm>>) dst(%arg5 : memref<8xi32, #tpu.memory_space<vmem>>)
        tpu.yield
      }) : () -> ()
      %dma_start3A = arith.constant 0 : i32
      %dma_start3A_12 = arith.constant 0 : i32
      %dma_start3A_13 = arith.constant 0 : i32
      %dma_start3A_14 = tpu.memref_slice %arg2[%dma_start3A, %dma_start3A_12, %dma_start3A_13] : memref<8192x4x1024xf32, #tpu.memory_space<hbm>> -> memref<8192x4x1024xf32, #tpu.memory_space<hbm>>
      tpu.enqueue_indirect_dma source(%dma_start3A_14 : memref<8192x4x1024xf32, #tpu.memory_space<hbm>>) target(%arg6 : memref<8x4x1024xf32, #tpu.memory_space<vmem>>) offsets(%arg5 : memref<8xi32, #tpu.memory_space<vmem>>) semaphore(%arg7 : memref<!tpu.dma_semaphore, #tpu.memory_space<semaphore_mem>>)
      %dma_wait3A = arith.constant 0 : i32
      %dma_wait3A_15 = arith.constant 0 : i32
      %dma_wait3A_16 = arith.constant 0 : i32
      %dma_wait3A_17 = tpu.memref_slice %arg2[%dma_wait3A, %dma_wait3A_15, %dma_wait3A_16] : memref<8192x4x1024xf32, #tpu.memory_space<hbm>> -> memref<8192x4x1024xf32, #tpu.memory_space<hbm>>
      tpu.wait_indirect_dma semaphore(%arg7 : memref<!tpu.dma_semaphore, #tpu.memory_space<semaphore_mem>>) src(%dma_wait3A_17 : memref<8192x4x1024xf32, #tpu.memory_space<hbm>>) dst(%arg6 : memref<8x4x1024xf32, #tpu.memory_space<vmem>>)
      "tpu.region"() ({
        %run_scoped3A = tpu.sem_alloc : memref<!tpu.dma_semaphore, #tpu.memory_space<semaphore_mem>>
        %dma_start3A_18 = arith.constant 0 : i32
        %dma_start3A_19 = arith.constant 0 : i32
        %dma_start3A_20 = tpu.memref_slice %arg4[%add3A_11, %dma_start3A_18, %dma_start3A_19] : memref<4096x4x1024xf32, #tpu.memory_space<hbm>> -> memref<8x4x1024xf32, #tpu.memory_space<hbm>>
        %dma_start3A_21 = arith.constant 0 : i32
        %dma_start3A_22 = arith.constant 0 : i32
        %dma_start3A_23 = tpu.memref_slice %arg4[%add3A_11, %dma_start3A_21, %dma_start3A_22] : memref<4096x4x1024xf32, #tpu.memory_space<hbm>> -> memref<8x4x1024xf32, #tpu.memory_space<hbm>>
        tpu.enqueue_dma source(%arg6 : memref<8x4x1024xf32, #tpu.memory_space<vmem>>) target(%dma_start3A_23 : memref<8x4x1024xf32, #tpu.memory_space<hbm>>) target_semaphore(%run_scoped3A : memref<!tpu.dma_semaphore, #tpu.memory_space<semaphore_mem>>)
        %dma_wait3A_24 = arith.constant 0 : i32
        %dma_wait3A_25 = arith.constant 0 : i32
        %dma_wait3A_26 = tpu.memref_slice %arg4[%add3A_11, %dma_wait3A_24, %dma_wait3A_25] : memref<4096x4x1024xf32, #tpu.memory_space<hbm>> -> memref<8x4x1024xf32, #tpu.memory_space<hbm>>
        %dma_wait3A_27 = arith.constant 0 : i32
        %dma_wait3A_28 = arith.constant 0 : i32
        %dma_wait3A_29 = tpu.memref_slice %arg4[%add3A_11, %dma_wait3A_27, %dma_wait3A_28] : memref<4096x4x1024xf32, #tpu.memory_space<hbm>> -> memref<8x4x1024xf32, #tpu.memory_space<hbm>>
        tpu.wait_dma2 semaphore(%run_scoped3A : memref<!tpu.dma_semaphore, #tpu.memory_space<semaphore_mem>>) src(%arg6 : memref<8x4x1024xf32, #tpu.memory_space<vmem>>) dst(%dma_wait3A_29 : memref<8x4x1024xf32, #tpu.memory_space<hbm>>)
        tpu.yield
      }) : () -> ()
    }
    %scan3A_7 = arith.constant 16 : i32
    return
  }
}

module attributes {stable_mosaic.version = 14 : i64} {
  func.func @_prep_body(%arg0: i32, %arg1: memref<1x4096xi32, #tpu.memory_space<vmem>>, %arg2: memref<1x4096xi32, #tpu.memory_space<vmem>>, %arg3: memref<1x128xi32, #tpu.memory_space<vmem>>, %arg4: memref<1x128xi32, #tpu.memory_space<vmem>>, %arg5: memref<1x1xi32, #tpu.memory_space<vmem>>) attributes {dimension_semantics = [#tpu.dimension_semantics<arbitrary>], iteration_bounds = array<i64: 1>, scalar_prefetch = 0 : i64, scratch_operands = 0 : i64, tpu.core_type = #tpu.core_type<tc>, window_params = [{pipeline_mode = #tpu.pipeline_mode<synchronous>, transform_indices = @transform_0, window_bounds = array<i64: 1, 4096>}, {pipeline_mode = #tpu.pipeline_mode<synchronous>, transform_indices = @transform_1, window_bounds = array<i64: 1, 4096>}, {pipeline_mode = #tpu.pipeline_mode<synchronous>, transform_indices = @transform_2, window_bounds = array<i64: 1, 128>}, {pipeline_mode = #tpu.pipeline_mode<synchronous>, transform_indices = @transform_3, window_bounds = array<i64: 1, 128>}, {pipeline_mode = #tpu.pipeline_mode<synchronous>, transform_indices = @transform_4, window_bounds = array<i64: 1, 1>}]} {
    %get3A = arith.constant 0 : index
    %get3A_0 = arith.constant 0 : index
    %get3A_1 = vector.load %arg1[%get3A, %get3A_0] : memref<1x4096xi32, #tpu.memory_space<vmem>>, vector<1x4096xi32>
    %iota3A = tpu.iota {dimensions = array<i32: 0>} : vector<64x4096xi32>
    %broadcast_in_dim3A = vector.shape_cast %get3A_1 : vector<1x4096xi32> to vector<1x4096xi32>
    %broadcast_in_dim3A_2 = vector.broadcast %broadcast_in_dim3A : vector<1x4096xi32> to vector<64x4096xi32>
    %eq3A = arith.cmpi eq, %broadcast_in_dim3A_2, %iota3A : vector<64x4096xi32>
    %convert_element_type3A = arith.extui %eq3A : vector<64x4096xi1> to vector<64x4096xi32>
    %broadcast_in_dim3A_3 = arith.constant 0 : i32
    %broadcast_in_dim3A_4 = vector.broadcast %broadcast_in_dim3A_3 : i32 to vector<64x1xi32>
    %slice3A = vector.extract_strided_slice %convert_element_type3A {offsets = [0, 0], sizes = [64, 4095], strides = [1, 1]} : vector<64x4096xi32> to vector<64x4095xi32>
    %concatenate3A = tpu.concatenate %broadcast_in_dim3A_4, %slice3A in 1 : vector<64x1xi32>, vector<64x4095xi32> -> vector<64x4096xi32>
    %add3A = arith.addi %convert_element_type3A, %concatenate3A : vector<64x4096xi32>
    %broadcast_in_dim3A_5 = arith.constant 0 : i32
    %broadcast_in_dim3A_6 = vector.broadcast %broadcast_in_dim3A_5 : i32 to vector<64x2xi32>
    %slice3A_7 = vector.extract_strided_slice %add3A {offsets = [0, 0], sizes = [64, 4094], strides = [1, 1]} : vector<64x4096xi32> to vector<64x4094xi32>
    %concatenate3A_8 = tpu.concatenate %broadcast_in_dim3A_6, %slice3A_7 in 1 : vector<64x2xi32>, vector<64x4094xi32> -> vector<64x4096xi32>
    %add3A_9 = arith.addi %add3A, %concatenate3A_8 : vector<64x4096xi32>
    %broadcast_in_dim3A_10 = arith.constant 0 : i32
    %broadcast_in_dim3A_11 = vector.broadcast %broadcast_in_dim3A_10 : i32 to vector<64x4xi32>
    %slice3A_12 = vector.extract_strided_slice %add3A_9 {offsets = [0, 0], sizes = [64, 4092], strides = [1, 1]} : vector<64x4096xi32> to vector<64x4092xi32>
    %concatenate3A_13 = tpu.concatenate %broadcast_in_dim3A_11, %slice3A_12 in 1 : vector<64x4xi32>, vector<64x4092xi32> -> vector<64x4096xi32>
    %add3A_14 = arith.addi %add3A_9, %concatenate3A_13 : vector<64x4096xi32>
    %broadcast_in_dim3A_15 = arith.constant 0 : i32
    %broadcast_in_dim3A_16 = vector.broadcast %broadcast_in_dim3A_15 : i32 to vector<64x8xi32>
    %slice3A_17 = vector.extract_strided_slice %add3A_14 {offsets = [0, 0], sizes = [64, 4088], strides = [1, 1]} : vector<64x4096xi32> to vector<64x4088xi32>
    %concatenate3A_18 = tpu.concatenate %broadcast_in_dim3A_16, %slice3A_17 in 1 : vector<64x8xi32>, vector<64x4088xi32> -> vector<64x4096xi32>
    %add3A_19 = arith.addi %add3A_14, %concatenate3A_18 : vector<64x4096xi32>
    %broadcast_in_dim3A_20 = arith.constant 0 : i32
    %broadcast_in_dim3A_21 = vector.broadcast %broadcast_in_dim3A_20 : i32 to vector<64x16xi32>
    %slice3A_22 = vector.extract_strided_slice %add3A_19 {offsets = [0, 0], sizes = [64, 4080], strides = [1, 1]} : vector<64x4096xi32> to vector<64x4080xi32>
    %concatenate3A_23 = tpu.concatenate %broadcast_in_dim3A_21, %slice3A_22 in 1 : vector<64x16xi32>, vector<64x4080xi32> -> vector<64x4096xi32>
    %add3A_24 = arith.addi %add3A_19, %concatenate3A_23 : vector<64x4096xi32>
    %broadcast_in_dim3A_25 = arith.constant 0 : i32
    %broadcast_in_dim3A_26 = vector.broadcast %broadcast_in_dim3A_25 : i32 to vector<64x32xi32>
    %slice3A_27 = vector.extract_strided_slice %add3A_24 {offsets = [0, 0], sizes = [64, 4064], strides = [1, 1]} : vector<64x4096xi32> to vector<64x4064xi32>
    %concatenate3A_28 = tpu.concatenate %broadcast_in_dim3A_26, %slice3A_27 in 1 : vector<64x32xi32>, vector<64x4064xi32> -> vector<64x4096xi32>
    %add3A_29 = arith.addi %add3A_24, %concatenate3A_28 : vector<64x4096xi32>
    %broadcast_in_dim3A_30 = arith.constant 0 : i32
    %broadcast_in_dim3A_31 = vector.broadcast %broadcast_in_dim3A_30 : i32 to vector<64x64xi32>
    %slice3A_32 = vector.extract_strided_slice %add3A_29 {offsets = [0, 0], sizes = [64, 4032], strides = [1, 1]} : vector<64x4096xi32> to vector<64x4032xi32>
    %concatenate3A_33 = tpu.concatenate %broadcast_in_dim3A_31, %slice3A_32 in 1 : vector<64x64xi32>, vector<64x4032xi32> -> vector<64x4096xi32>
    %add3A_34 = arith.addi %add3A_29, %concatenate3A_33 : vector<64x4096xi32>
    %broadcast_in_dim3A_35 = arith.constant 0 : i32
    %broadcast_in_dim3A_36 = vector.broadcast %broadcast_in_dim3A_35 : i32 to vector<64x128xi32>
    %slice3A_37 = vector.extract_strided_slice %add3A_34 {offsets = [0, 0], sizes = [64, 3968], strides = [1, 1]} : vector<64x4096xi32> to vector<64x3968xi32>
    %concatenate3A_38 = tpu.concatenate %broadcast_in_dim3A_36, %slice3A_37 in 1 : vector<64x128xi32>, vector<64x3968xi32> -> vector<64x4096xi32>
    %add3A_39 = arith.addi %add3A_34, %concatenate3A_38 : vector<64x4096xi32>
    %broadcast_in_dim3A_40 = arith.constant 0 : i32
    %broadcast_in_dim3A_41 = vector.broadcast %broadcast_in_dim3A_40 : i32 to vector<64x256xi32>
    %slice3A_42 = vector.extract_strided_slice %add3A_39 {offsets = [0, 0], sizes = [64, 3840], strides = [1, 1]} : vector<64x4096xi32> to vector<64x3840xi32>
    %concatenate3A_43 = tpu.concatenate %broadcast_in_dim3A_41, %slice3A_42 in 1 : vector<64x256xi32>, vector<64x3840xi32> -> vector<64x4096xi32>
    %add3A_44 = arith.addi %add3A_39, %concatenate3A_43 : vector<64x4096xi32>
    %broadcast_in_dim3A_45 = arith.constant 0 : i32
    %broadcast_in_dim3A_46 = vector.broadcast %broadcast_in_dim3A_45 : i32 to vector<64x512xi32>
    %slice3A_47 = vector.extract_strided_slice %add3A_44 {offsets = [0, 0], sizes = [64, 3584], strides = [1, 1]} : vector<64x4096xi32> to vector<64x3584xi32>
    %concatenate3A_48 = tpu.concatenate %broadcast_in_dim3A_46, %slice3A_47 in 1 : vector<64x512xi32>, vector<64x3584xi32> -> vector<64x4096xi32>
    %add3A_49 = arith.addi %add3A_44, %concatenate3A_48 : vector<64x4096xi32>
    %broadcast_in_dim3A_50 = arith.constant 0 : i32
    %broadcast_in_dim3A_51 = vector.broadcast %broadcast_in_dim3A_50 : i32 to vector<64x1024xi32>
    %slice3A_52 = vector.extract_strided_slice %add3A_49 {offsets = [0, 0], sizes = [64, 3072], strides = [1, 1]} : vector<64x4096xi32> to vector<64x3072xi32>
    %concatenate3A_53 = tpu.concatenate %broadcast_in_dim3A_51, %slice3A_52 in 1 : vector<64x1024xi32>, vector<64x3072xi32> -> vector<64x4096xi32>
    %add3A_54 = arith.addi %add3A_49, %concatenate3A_53 : vector<64x4096xi32>
    %broadcast_in_dim3A_55 = arith.constant 0 : i32
    %broadcast_in_dim3A_56 = vector.broadcast %broadcast_in_dim3A_55 : i32 to vector<64x2048xi32>
    %slice3A_57 = vector.extract_strided_slice %add3A_54 {offsets = [0, 0], sizes = [64, 2048], strides = [1, 1]} : vector<64x4096xi32> to vector<64x2048xi32>
    %concatenate3A_58 = tpu.concatenate %broadcast_in_dim3A_56, %slice3A_57 in 1 : vector<64x2048xi32>, vector<64x2048xi32> -> vector<64x4096xi32>
    %add3A_59 = arith.addi %add3A_54, %concatenate3A_58 : vector<64x4096xi32>
    %sub3A = arith.subi %add3A_59, %convert_element_type3A : vector<64x4096xi32>
    %mul3A = arith.muli %sub3A, %convert_element_type3A : vector<64x4096xi32>
    %reduce_sum3A = arith.constant dense<0> : vector<4096xi32>
    %reduce_sum3A_60 = vector.multi_reduction <add>, %mul3A, %reduce_sum3A [0] : vector<64x4096xi32> to vector<4096xi32>
    %broadcast_in_dim3A_61 = vector.shape_cast %reduce_sum3A_60 : vector<4096xi32> to vector<1x4096xi32>
    %slice3A_62 = vector.extract_strided_slice %add3A_59 {offsets = [0, 4095], sizes = [64, 1], strides = [1, 1]} : vector<64x4096xi32> to vector<64x1xi32>
    %add3A_63 = arith.constant 64 : i32
    %add3A_64 = vector.broadcast %add3A_63 : i32 to vector<64x1xi32>
    %add3A_65 = arith.addi %slice3A_62, %add3A_64 : vector<64x1xi32>
    %sub3A_66 = arith.constant 1 : i32
    %sub3A_67 = vector.broadcast %sub3A_66 : i32 to vector<64x1xi32>
    %sub3A_68 = arith.subi %add3A_65, %sub3A_67 : vector<64x1xi32>
    %jit3A = arith.constant 64 : i32
    %div3A = vector.broadcast %jit3A : i32 to vector<64x1xi32>
    %div3A_69 = arith.divsi %sub3A_68, %div3A : vector<64x1xi32>
    %sign3A = arith.constant 0 : i32
    %sign3A_70 = vector.broadcast %sign3A : i32 to vector<64x1xi32>
    %sign3A_71 = arith.cmpi sgt, %sub3A_68, %sign3A_70 : vector<64x1xi32>
    %sign3A_72 = arith.extui %sign3A_71 : vector<64x1xi1> to vector<64x1xi32>
    %sign3A_73 = arith.constant 0 : i32
    %sign3A_74 = vector.broadcast %sign3A_73 : i32 to vector<64x1xi32>
    %sign3A_75 = arith.cmpi slt, %sub3A_68, %sign3A_74 : vector<64x1xi32>
    %sign3A_76 = arith.extui %sign3A_75 : vector<64x1xi1> to vector<64x1xi32>
    %sign3A_77 = arith.subi %sign3A_72, %sign3A_76 : vector<64x1xi32>
    %sign3A_78 = arith.constant 0 : i32
    %sign3A_79 = arith.cmpi sgt, %jit3A, %sign3A_78 : i32
    %sign3A_80 = arith.extui %sign3A_79 : i1 to i32
    %sign3A_81 = arith.constant 0 : i32
    %sign3A_82 = arith.cmpi slt, %jit3A, %sign3A_81 : i32
    %sign3A_83 = arith.extui %sign3A_82 : i1 to i32
    %sign3A_84 = arith.subi %sign3A_80, %sign3A_83 : i32
    %ne3A = vector.broadcast %sign3A_84 : i32 to vector<64x1xi32>
    %ne3A_85 = arith.cmpi ne, %sign3A_77, %ne3A : vector<64x1xi32>
    %rem3A = vector.broadcast %jit3A : i32 to vector<64x1xi32>
    %rem3A_86 = arith.remsi %sub3A_68, %rem3A : vector<64x1xi32>
    %ne3A_87 = arith.constant 0 : i32
    %ne3A_88 = vector.broadcast %ne3A_87 : i32 to vector<64x1xi32>
    %ne3A_89 = arith.cmpi ne, %rem3A_86, %ne3A_88 : vector<64x1xi32>
    %and3A = arith.andi %ne3A_85, %ne3A_89 : vector<64x1xi1>
    %sub3A_90 = arith.constant 1 : i32
    %sub3A_91 = vector.broadcast %sub3A_90 : i32 to vector<64x1xi32>
    %sub3A_92 = arith.subi %div3A_69, %sub3A_91 : vector<64x1xi32>
    %select_n3A = arith.select %and3A, %sub3A_92, %div3A_69 : vector<64x1xi1>, vector<64x1xi32>
    %broadcast_in_dim3A_93 = arith.constant 0 : i32
    %broadcast_in_dim3A_94 = vector.broadcast %broadcast_in_dim3A_93 : i32 to vector<1x1xi32>
    %slice3A_95 = vector.extract_strided_slice %select_n3A {offsets = [0, 0], sizes = [63, 1], strides = [1, 1]} : vector<64x1xi32> to vector<63x1xi32>
    %concatenate3A_96 = tpu.concatenate %broadcast_in_dim3A_94, %slice3A_95 in 0 : vector<1x1xi32>, vector<63x1xi32> -> vector<64x1xi32>
    %add3A_97 = arith.addi %select_n3A, %concatenate3A_96 : vector<64x1xi32>
    %broadcast_in_dim3A_98 = arith.constant 0 : i32
    %broadcast_in_dim3A_99 = vector.broadcast %broadcast_in_dim3A_98 : i32 to vector<2x1xi32>
    %slice3A_100 = vector.extract_strided_slice %add3A_97 {offsets = [0, 0], sizes = [62, 1], strides = [1, 1]} : vector<64x1xi32> to vector<62x1xi32>
    %concatenate3A_101 = tpu.concatenate %broadcast_in_dim3A_99, %slice3A_100 in 0 : vector<2x1xi32>, vector<62x1xi32> -> vector<64x1xi32>
    %add3A_102 = arith.addi %add3A_97, %concatenate3A_101 : vector<64x1xi32>
    %broadcast_in_dim3A_103 = arith.constant 0 : i32
    %broadcast_in_dim3A_104 = vector.broadcast %broadcast_in_dim3A_103 : i32 to vector<4x1xi32>
    %slice3A_105 = vector.extract_strided_slice %add3A_102 {offsets = [0, 0], sizes = [60, 1], strides = [1, 1]} : vector<64x1xi32> to vector<60x1xi32>
    %concatenate3A_106 = tpu.concatenate %broadcast_in_dim3A_104, %slice3A_105 in 0 : vector<4x1xi32>, vector<60x1xi32> -> vector<64x1xi32>
    %add3A_107 = arith.addi %add3A_102, %concatenate3A_106 : vector<64x1xi32>
    %broadcast_in_dim3A_108 = arith.constant 0 : i32
    %broadcast_in_dim3A_109 = vector.broadcast %broadcast_in_dim3A_108 : i32 to vector<8x1xi32>
    %slice3A_110 = vector.extract_strided_slice %add3A_107 {offsets = [0, 0], sizes = [56, 1], strides = [1, 1]} : vector<64x1xi32> to vector<56x1xi32>
    %concatenate3A_111 = tpu.concatenate %broadcast_in_dim3A_109, %slice3A_110 in 0 : vector<8x1xi32>, vector<56x1xi32> -> vector<64x1xi32>
    %add3A_112 = arith.addi %add3A_107, %concatenate3A_111 : vector<64x1xi32>
    %broadcast_in_dim3A_113 = arith.constant 0 : i32
    %broadcast_in_dim3A_114 = vector.broadcast %broadcast_in_dim3A_113 : i32 to vector<16x1xi32>
    %slice3A_115 = vector.extract_strided_slice %add3A_112 {offsets = [0, 0], sizes = [48, 1], strides = [1, 1]} : vector<64x1xi32> to vector<48x1xi32>
    %concatenate3A_116 = tpu.concatenate %broadcast_in_dim3A_114, %slice3A_115 in 0 : vector<16x1xi32>, vector<48x1xi32> -> vector<64x1xi32>
    %add3A_117 = arith.addi %add3A_112, %concatenate3A_116 : vector<64x1xi32>
    %broadcast_in_dim3A_118 = arith.constant 0 : i32
    %broadcast_in_dim3A_119 = vector.broadcast %broadcast_in_dim3A_118 : i32 to vector<32x1xi32>
    %slice3A_120 = vector.extract_strided_slice %add3A_117 {offsets = [0, 0], sizes = [32, 1], strides = [1, 1]} : vector<64x1xi32> to vector<32x1xi32>
    %concatenate3A_121 = tpu.concatenate %broadcast_in_dim3A_119, %slice3A_120 in 0 : vector<32x1xi32>, vector<32x1xi32> -> vector<64x1xi32>
    %add3A_122 = arith.addi %add3A_117, %concatenate3A_121 : vector<64x1xi32>
    %sub3A_123 = arith.subi %add3A_122, %select_n3A : vector<64x1xi32>
    %mul3A_124 = vector.broadcast %sub3A_123 : vector<64x1xi32> to vector<64x4096xi32>
    %mul3A_125 = arith.muli %convert_element_type3A, %mul3A_124 : vector<64x4096xi32>
    %reduce_sum3A_126 = arith.constant dense<0> : vector<4096xi32>
    %reduce_sum3A_127 = vector.multi_reduction <add>, %mul3A_125, %reduce_sum3A_126 [0] : vector<64x4096xi32> to vector<4096xi32>
    %broadcast_in_dim3A_128 = vector.shape_cast %reduce_sum3A_127 : vector<4096xi32> to vector<1x4096xi32>
    %mul3A_129 = arith.constant 64 : i32
    %mul3A_130 = vector.broadcast %mul3A_129 : i32 to vector<1x4096xi32>
    %mul3A_131 = arith.muli %broadcast_in_dim3A_128, %mul3A_130 : vector<1x4096xi32>
    %add3A_132 = arith.addi %mul3A_131, %broadcast_in_dim3A_61 : vector<1x4096xi32>
    %swap3A = arith.constant 0 : index
    %swap3A_133 = arith.constant 0 : index
    %swap3A_134 = vector.load %arg2[%swap3A, %swap3A_133] : memref<1x4096xi32, #tpu.memory_space<vmem>>, vector<1x4096xi32>
    tpu.vector_store %arg2[%swap3A, %swap3A_133], %add3A_132 {strides = array<i32>} : memref<1x4096xi32, #tpu.memory_space<vmem>>, vector<1x4096xi32>,
    %iota3A_135 = tpu.iota {dimensions = array<i32: 1>} : vector<1x128xi32>
    %broadcast_in_dim3A_136 = vector.shape_cast %add3A_122 : vector<64x1xi32> to vector<64x1xi32>
    %broadcast_in_dim3A_137 = vector.broadcast %broadcast_in_dim3A_136 : vector<64x1xi32> to vector<64x128xi32>
    %broadcast_in_dim3A_138 = vector.shape_cast %iota3A_135 : vector<1x128xi32> to vector<1x128xi32>
    %broadcast_in_dim3A_139 = vector.broadcast %broadcast_in_dim3A_138 : vector<1x128xi32> to vector<64x128xi32>
    %le3A = arith.cmpi sle, %broadcast_in_dim3A_137, %broadcast_in_dim3A_139 : vector<64x128xi32>
    %convert_element_type3A_140 = arith.extui %le3A : vector<64x128xi1> to vector<64x128xi32>
    %reduce_sum3A_141 = arith.constant dense<0> : vector<128xi32>
    %reduce_sum3A_142 = vector.multi_reduction <add>, %convert_element_type3A_140, %reduce_sum3A_141 [0] : vector<64x128xi32> to vector<128xi32>
    %broadcast_in_dim3A_143 = vector.shape_cast %reduce_sum3A_142 : vector<128xi32> to vector<1x128xi32>
    %min3A = arith.constant 63 : i32
    %min3A_144 = vector.broadcast %min3A : i32 to vector<1x128xi32>
    %min3A_145 = arith.minsi %broadcast_in_dim3A_143, %min3A_144 : vector<1x128xi32>
    %swap3A_146 = arith.constant 0 : index
    %swap3A_147 = arith.constant 0 : index
    %swap3A_148 = vector.load %arg3[%swap3A_146, %swap3A_147] : memref<1x128xi32, #tpu.memory_space<vmem>>, vector<1x128xi32>
    tpu.vector_store %arg3[%swap3A_146, %swap3A_147], %min3A_145 {strides = array<i32>} : memref<1x128xi32, #tpu.memory_space<vmem>>, vector<1x128xi32>,
    %slice3A_149 = vector.extract_strided_slice %add3A_122 {offsets = [63, 0], sizes = [1, 1], strides = [1, 1]} : vector<64x1xi32> to vector<1x1xi32>
    %swap3A_150 = arith.constant 0 : index
    %swap3A_151 = arith.constant 0 : index
    %swap3A_152 = vector.load %arg5[%swap3A_150, %swap3A_151] : memref<1x1xi32, #tpu.memory_space<vmem>>, vector<1x1xi32>
    tpu.vector_store %arg5[%swap3A_150, %swap3A_151], %slice3A_149 {strides = array<i32>} : memref<1x1xi32, #tpu.memory_space<vmem>>, vector<1x1xi32>,
    %broadcast_in_dim3A_153 = vector.shape_cast %slice3A_149 : vector<1x1xi32> to vector<1x1xi32>
    %broadcast_in_dim3A_154 = vector.broadcast %broadcast_in_dim3A_153 : vector<1x1xi32> to vector<1x128xi32>
    %sub3A_155 = arith.constant 1 : i32
    %sub3A_156 = vector.broadcast %sub3A_155 : i32 to vector<1x128xi32>
    %sub3A_157 = arith.subi %broadcast_in_dim3A_154, %sub3A_156 : vector<1x128xi32>
    %min3A_158 = arith.minsi %iota3A_135, %sub3A_157 : vector<1x128xi32>
    %swap3A_159 = arith.constant 0 : index
    %swap3A_160 = arith.constant 0 : index
    %swap3A_161 = vector.load %arg4[%swap3A_159, %swap3A_160] : memref<1x128xi32, #tpu.memory_space<vmem>>, vector<1x128xi32>
    tpu.vector_store %arg4[%swap3A_159, %swap3A_160], %min3A_158 {strides = array<i32>} : memref<1x128xi32, #tpu.memory_space<vmem>>, vector<1x128xi32>,
    return
  }
  func.func @transform_0(%arg0: i32) -> (i32, i32) {
    %c0_i32 = arith.constant 0 : i32
    %c0_i32_0 = arith.constant 0 : i32
    %c0_i32_1 = arith.constant 0 : i32
    return %c0_i32, %c0_i32_0 : i32, i32
  }
  func.func @transform_1(%arg0: i32) -> (i32, i32) {
    %c0_i32 = arith.constant 0 : i32
    %c0_i32_0 = arith.constant 0 : i32
    %c0_i32_1 = arith.constant 0 : i32
    return %c0_i32, %c0_i32_0 : i32, i32
  }
  func.func @transform_2(%arg0: i32) -> (i32, i32) {
    %c0_i32 = arith.constant 0 : i32
    %c0_i32_0 = arith.constant 0 : i32
    %c0_i32_1 = arith.constant 0 : i32
    return %c0_i32, %c0_i32_0 : i32, i32
  }
  func.func @transform_3(%arg0: i32) -> (i32, i32) {
    %c0_i32 = arith.constant 0 : i32
    %c0_i32_0 = arith.constant 0 : i32
    %c0_i32_1 = arith.constant 0 : i32
    return %c0_i32, %c0_i32_0 : i32, i32
  }
  func.func @transform_4(%arg0: i32) -> (i32, i32) {
    %c0_i32 = arith.constant 0 : i32
    %c0_i32_0 = arith.constant 0 : i32
    %c0_i32_1 = arith.constant 0 : i32
    return %c0_i32, %c0_i32_0 : i32, i32
  }
}

module attributes {stable_mosaic.version = 14 : i64} {
  func.func @_mm_body(%arg0: i32, %arg1: memref<8192xi32, #tpu.memory_space<smem>>, %arg2: memref<128xi32, #tpu.memory_space<smem>>, %arg3: memref<128xi32, #tpu.memory_space<smem>>, %arg4: memref<1xi32, #tpu.memory_space<smem>>, %arg5: memref<1x4x1024xf32, #tpu.memory_space<vmem>>, %arg6: memref<1x4x1024xf32, #tpu.memory_space<vmem>>, %arg7: memref<1x4x1024xf32, #tpu.memory_space<vmem>>, %arg8: memref<1x4x1024xf32, #tpu.memory_space<vmem>>, %arg9: memref<1x4x1024xf32, #tpu.memory_space<vmem>>, %arg10: memref<1x4x1024xf32, #tpu.memory_space<vmem>>, %arg11: memref<1x4x1024xf32, #tpu.memory_space<vmem>>, %arg12: memref<1x4x1024xf32, #tpu.memory_space<vmem>>, %arg13: memref<1x4x1024xf32, #tpu.memory_space<vmem>>, %arg14: memref<1x4x1024xf32, #tpu.memory_space<vmem>>, %arg15: memref<1x4x1024xf32, #tpu.memory_space<vmem>>, %arg16: memref<1x4x1024xf32, #tpu.memory_space<vmem>>, %arg17: memref<1x4x1024xf32, #tpu.memory_space<vmem>>, %arg18: memref<1x4x1024xf32, #tpu.memory_space<vmem>>, %arg19: memref<1x4x1024xf32, #tpu.memory_space<vmem>>, %arg20: memref<1x4x1024xf32, #tpu.memory_space<vmem>>, %arg21: memref<1x4x1024xf32, #tpu.memory_space<vmem>>, %arg22: memref<1x4x1024xf32, #tpu.memory_space<vmem>>, %arg23: memref<1x4x1024xf32, #tpu.memory_space<vmem>>, %arg24: memref<1x4x1024xf32, #tpu.memory_space<vmem>>, %arg25: memref<1x4x1024xf32, #tpu.memory_space<vmem>>, %arg26: memref<1x4x1024xf32, #tpu.memory_space<vmem>>, %arg27: memref<1x4x1024xf32, #tpu.memory_space<vmem>>, %arg28: memref<1x4x1024xf32, #tpu.memory_space<vmem>>, %arg29: memref<1x4x1024xf32, #tpu.memory_space<vmem>>, %arg30: memref<1x4x1024xf32, #tpu.memory_space<vmem>>, %arg31: memref<1x4x1024xf32, #tpu.memory_space<vmem>>, %arg32: memref<1x4x1024xf32, #tpu.memory_space<vmem>>, %arg33: memref<1x4x1024xf32, #tpu.memory_space<vmem>>, %arg34: memref<1x4x1024xf32, #tpu.memory_space<vmem>>, %arg35: memref<1x4x1024xf32, #tpu.memory_space<vmem>>, %arg36: memref<1x4x1024xf32, #tpu.memory_space<vmem>>, %arg37: memref<1x4x1024xf32, #tpu.memory_space<vmem>>, %arg38: memref<1x4x1024xf32, #tpu.memory_space<vmem>>, %arg39: memref<1x4x1024xf32, #tpu.memory_space<vmem>>, %arg40: memref<1x4x1024xf32, #tpu.memory_space<vmem>>, %arg41: memref<1x4x1024xf32, #tpu.memory_space<vmem>>, %arg42: memref<1x4x1024xf32, #tpu.memory_space<vmem>>, %arg43: memref<1x4x1024xf32, #tpu.memory_space<vmem>>, %arg44: memref<1x4x1024xf32, #tpu.memory_space<vmem>>, %arg45: memref<1x4x1024xf32, #tpu.memory_space<vmem>>, %arg46: memref<1x4x1024xf32, #tpu.memory_space<vmem>>, %arg47: memref<1x4x1024xf32, #tpu.memory_space<vmem>>, %arg48: memref<1x4x1024xf32, #tpu.memory_space<vmem>>, %arg49: memref<1x4x1024xf32, #tpu.memory_space<vmem>>, %arg50: memref<1x4x1024xf32, #tpu.memory_space<vmem>>, %arg51: memref<1x4x1024xf32, #tpu.memory_space<vmem>>, %arg52: memref<1x4x1024xf32, #tpu.memory_space<vmem>>, %arg53: memref<1x4x1024xf32, #tpu.memory_space<vmem>>, %arg54: memref<1x4x1024xf32, #tpu.memory_space<vmem>>, %arg55: memref<1x4x1024xf32, #tpu.memory_space<vmem>>, %arg56: memref<1x4x1024xf32, #tpu.memory_space<vmem>>, %arg57: memref<1x4x1024xf32, #tpu.memory_space<vmem>>, %arg58: memref<1x4x1024xf32, #tpu.memory_space<vmem>>, %arg59: memref<1x4x1024xf32, #tpu.memory_space<vmem>>, %arg60: memref<1x4x1024xf32, #tpu.memory_space<vmem>>, %arg61: memref<1x4x1024xf32, #tpu.memory_space<vmem>>, %arg62: memref<1x4x1024xf32, #tpu.memory_space<vmem>>, %arg63: memref<1x4x1024xf32, #tpu.memory_space<vmem>>, %arg64: memref<1x4x1024xf32, #tpu.memory_space<vmem>>, %arg65: memref<1x4x1024xf32, #tpu.memory_space<vmem>>, %arg66: memref<1x4x1024xf32, #tpu.memory_space<vmem>>, %arg67: memref<1x4x1024xf32, #tpu.memory_space<vmem>>, %arg68: memref<1x4x1024xf32, #tpu.memory_space<vmem>>, %arg69: memref<1x1024x1024xf32, #tpu.memory_space<vmem>>, %arg70: memref<64x4x1024xf32, #tpu.memory_space<vmem>>) attributes {dimension_semantics = [#tpu.dimension_semantics<arbitrary>], iteration_bounds = array<i64: 128>, scalar_prefetch = 4 : i64, scratch_operands = 0 : i64, tpu.core_type = #tpu.core_type<tc>, window_params = [{transform_indices = @transform_0, window_bounds = array<i64: 1, 4, 1024>}, {transform_indices = @transform_1, window_bounds = array<i64: 1, 4, 1024>}, {transform_indices = @transform_2, window_bounds = array<i64: 1, 4, 1024>}, {transform_indices = @transform_3, window_bounds = array<i64: 1, 4, 1024>}, {transform_indices = @transform_4, window_bounds = array<i64: 1, 4, 1024>}, {transform_indices = @transform_5, window_bounds = array<i64: 1, 4, 1024>}, {transform_indices = @transform_6, window_bounds = array<i64: 1, 4, 1024>}, {transform_indices = @transform_7, window_bounds = array<i64: 1, 4, 1024>}, {transform_indices = @transform_8, window_bounds = array<i64: 1, 4, 1024>}, {transform_indices = @transform_9, window_bounds = array<i64: 1, 4, 1024>}, {transform_indices = @transform_10, window_bounds = array<i64: 1, 4, 1024>}, {transform_indices = @transform_11, window_bounds = array<i64: 1, 4, 1024>}, {transform_indices = @transform_12, window_bounds = array<i64: 1, 4, 1024>}, {transform_indices = @transform_13, window_bounds = array<i64: 1, 4, 1024>}, {transform_indices = @transform_14, window_bounds = array<i64: 1, 4, 1024>}, {transform_indices = @transform_15, window_bounds = array<i64: 1, 4, 1024>}, {transform_indices = @transform_16, window_bounds = array<i64: 1, 4, 1024>}, {transform_indices = @transform_17, window_bounds = array<i64: 1, 4, 1024>}, {transform_indices = @transform_18, window_bounds = array<i64: 1, 4, 1024>}, {transform_indices = @transform_19, window_bounds = array<i64: 1, 4, 1024>}, {transform_indices = @transform_20, window_bounds = array<i64: 1, 4, 1024>}, {transform_indices = @transform_21, window_bounds = array<i64: 1, 4, 1024>}, {transform_indices = @transform_22, window_bounds = array<i64: 1, 4, 1024>}, {transform_indices = @transform_23, window_bounds = array<i64: 1, 4, 1024>}, {transform_indices = @transform_24, window_bounds = array<i64: 1, 4, 1024>}, {transform_indices = @transform_25, window_bounds = array<i64: 1, 4, 1024>}, {transform_indices = @transform_26, window_bounds = array<i64: 1, 4, 1024>}, {transform_indices = @transform_27, window_bounds = array<i64: 1, 4, 1024>}, {transform_indices = @transform_28, window_bounds = array<i64: 1, 4, 1024>}, {transform_indices = @transform_29, window_bounds = array<i64: 1, 4, 1024>}, {transform_indices = @transform_30, window_bounds = array<i64: 1, 4, 1024>}, {transform_indices = @transform_31, window_bounds = array<i64: 1, 4, 1024>}, {transform_indices = @transform_32, window_bounds = array<i64: 1, 4, 1024>}, {transform_indices = @transform_33, window_bounds = array<i64: 1, 4, 1024>}, {transform_indices = @transform_34, window_bounds = array<i64: 1, 4, 1024>}, {transform_indices = @transform_35, window_bounds = array<i64: 1, 4, 1024>}, {transform_indices = @transform_36, window_bounds = array<i64: 1, 4, 1024>}, {transform_indices = @transform_37, window_bounds = array<i64: 1, 4, 1024>}, {transform_indices = @transform_38, window_bounds = array<i64: 1, 4, 1024>}, {transform_indices = @transform_39, window_bounds = array<i64: 1, 4, 1024>}, {transform_indices = @transform_40, window_bounds = array<i64: 1, 4, 1024>}, {transform_indices = @transform_41, window_bounds = array<i64: 1, 4, 1024>}, {transform_indices = @transform_42, window_bounds = array<i64: 1, 4, 1024>}, {transform_indices = @transform_43, window_bounds = array<i64: 1, 4, 1024>}, {transform_indices = @transform_44, window_bounds = array<i64: 1, 4, 1024>}, {transform_indices = @transform_45, window_bounds = array<i64: 1, 4, 1024>}, {transform_indices = @transform_46, window_bounds = array<i64: 1, 4, 1024>}, {transform_indices = @transform_47, window_bounds = array<i64: 1, 4, 1024>}, {transform_indices = @transform_48, window_bounds = array<i64: 1, 4, 1024>}, {transform_indices = @transform_49, window_bounds = array<i64: 1, 4, 1024>}, {transform_indices = @transform_50, window_bounds = array<i64: 1, 4, 1024>}, {transform_indices = @transform_51, window_bounds = array<i64: 1, 4, 1024>}, {transform_indices = @transform_52, window_bounds = array<i64: 1, 4, 1024>}, {transform_indices = @transform_53, window_bounds = array<i64: 1, 4, 1024>}, {transform_indices = @transform_54, window_bounds = array<i64: 1, 4, 1024>}, {transform_indices = @transform_55, window_bounds = array<i64: 1, 4, 1024>}, {transform_indices = @transform_56, window_bounds = array<i64: 1, 4, 1024>}, {transform_indices = @transform_57, window_bounds = array<i64: 1, 4, 1024>}, {transform_indices = @transform_58, window_bounds = array<i64: 1, 4, 1024>}, {transform_indices = @transform_59, window_bounds = array<i64: 1, 4, 1024>}, {transform_indices = @transform_60, window_bounds = array<i64: 1, 4, 1024>}, {transform_indices = @transform_61, window_bounds = array<i64: 1, 4, 1024>}, {transform_indices = @transform_62, window_bounds = array<i64: 1, 4, 1024>}, {transform_indices = @transform_63, window_bounds = array<i64: 1, 4, 1024>}, {transform_indices = @transform_64, window_bounds = array<i64: 1, 1024, 1024>}, {transform_indices = @transform_65, window_bounds = array<i64: 64, 4, 1024>}]} {
    %get3A = arith.constant 0 : index
    %get3A_0 = memref.load %arg4[%get3A] : memref<1xi32, #tpu.memory_space<smem>>
    %lt3A = arith.cmpi slt, %arg0, %get3A_0 : i32
    %convert_element_type3A = arith.extui %lt3A : i1 to i32
    %cond3A = arith.constant 0 : i32
    %cond3A_1 = arith.cmpi ne, %convert_element_type3A, %cond3A : i32
    scf.if %cond3A_1 {
      %get3A_2 = arith.constant 0 : index
      %get3A_3 = arith.constant 0 : index
      %get3A_4 = arith.constant 0 : index
      %get3A_5 = vector.load %arg5[%get3A_2, %get3A_3, %get3A_4] : memref<1x4x1024xf32, #tpu.memory_space<vmem>>, vector<1x4x1024xf32>
      %get3A_6 = vector.shape_cast %get3A_5 : vector<1x4x1024xf32> to vector<4x1024xf32>
      %get3A_7 = arith.constant 0 : index
      %get3A_8 = arith.constant 0 : index
      %get3A_9 = arith.constant 0 : index
      %get3A_10 = vector.load %arg6[%get3A_7, %get3A_8, %get3A_9] : memref<1x4x1024xf32, #tpu.memory_space<vmem>>, vector<1x4x1024xf32>
      %get3A_11 = vector.shape_cast %get3A_10 : vector<1x4x1024xf32> to vector<4x1024xf32>
      %get3A_12 = arith.constant 0 : index
      %get3A_13 = arith.constant 0 : index
      %get3A_14 = arith.constant 0 : index
      %get3A_15 = vector.load %arg7[%get3A_12, %get3A_13, %get3A_14] : memref<1x4x1024xf32, #tpu.memory_space<vmem>>, vector<1x4x1024xf32>
      %get3A_16 = vector.shape_cast %get3A_15 : vector<1x4x1024xf32> to vector<4x1024xf32>
      %get3A_17 = arith.constant 0 : index
      %get3A_18 = arith.constant 0 : index
      %get3A_19 = arith.constant 0 : index
      %get3A_20 = vector.load %arg8[%get3A_17, %get3A_18, %get3A_19] : memref<1x4x1024xf32, #tpu.memory_space<vmem>>, vector<1x4x1024xf32>
      %get3A_21 = vector.shape_cast %get3A_20 : vector<1x4x1024xf32> to vector<4x1024xf32>
      %get3A_22 = arith.constant 0 : index
      %get3A_23 = arith.constant 0 : index
      %get3A_24 = arith.constant 0 : index
      %get3A_25 = vector.load %arg9[%get3A_22, %get3A_23, %get3A_24] : memref<1x4x1024xf32, #tpu.memory_space<vmem>>, vector<1x4x1024xf32>
      %get3A_26 = vector.shape_cast %get3A_25 : vector<1x4x1024xf32> to vector<4x1024xf32>
      %get3A_27 = arith.constant 0 : index
      %get3A_28 = arith.constant 0 : index
      %get3A_29 = arith.constant 0 : index
      %get3A_30 = vector.load %arg10[%get3A_27, %get3A_28, %get3A_29] : memref<1x4x1024xf32, #tpu.memory_space<vmem>>, vector<1x4x1024xf32>
      %get3A_31 = vector.shape_cast %get3A_30 : vector<1x4x1024xf32> to vector<4x1024xf32>
      %get3A_32 = arith.constant 0 : index
      %get3A_33 = arith.constant 0 : index
      %get3A_34 = arith.constant 0 : index
      %get3A_35 = vector.load %arg11[%get3A_32, %get3A_33, %get3A_34] : memref<1x4x1024xf32, #tpu.memory_space<vmem>>, vector<1x4x1024xf32>
      %get3A_36 = vector.shape_cast %get3A_35 : vector<1x4x1024xf32> to vector<4x1024xf32>
      %get3A_37 = arith.constant 0 : index
      %get3A_38 = arith.constant 0 : index
      %get3A_39 = arith.constant 0 : index
      %get3A_40 = vector.load %arg12[%get3A_37, %get3A_38, %get3A_39] : memref<1x4x1024xf32, #tpu.memory_space<vmem>>, vector<1x4x1024xf32>
      %get3A_41 = vector.shape_cast %get3A_40 : vector<1x4x1024xf32> to vector<4x1024xf32>
      %get3A_42 = arith.constant 0 : index
      %get3A_43 = arith.constant 0 : index
      %get3A_44 = arith.constant 0 : index
      %get3A_45 = vector.load %arg13[%get3A_42, %get3A_43, %get3A_44] : memref<1x4x1024xf32, #tpu.memory_space<vmem>>, vector<1x4x1024xf32>
      %get3A_46 = vector.shape_cast %get3A_45 : vector<1x4x1024xf32> to vector<4x1024xf32>
      %get3A_47 = arith.constant 0 : index
      %get3A_48 = arith.constant 0 : index
      %get3A_49 = arith.constant 0 : index
      %get3A_50 = vector.load %arg14[%get3A_47, %get3A_48, %get3A_49] : memref<1x4x1024xf32, #tpu.memory_space<vmem>>, vector<1x4x1024xf32>
      %get3A_51 = vector.shape_cast %get3A_50 : vector<1x4x1024xf32> to vector<4x1024xf32>
      %get3A_52 = arith.constant 0 : index
      %get3A_53 = arith.constant 0 : index
      %get3A_54 = arith.constant 0 : index
      %get3A_55 = vector.load %arg15[%get3A_52, %get3A_53, %get3A_54] : memref<1x4x1024xf32, #tpu.memory_space<vmem>>, vector<1x4x1024xf32>
      %get3A_56 = vector.shape_cast %get3A_55 : vector<1x4x1024xf32> to vector<4x1024xf32>
      %get3A_57 = arith.constant 0 : index
      %get3A_58 = arith.constant 0 : index
      %get3A_59 = arith.constant 0 : index
      %get3A_60 = vector.load %arg16[%get3A_57, %get3A_58, %get3A_59] : memref<1x4x1024xf32, #tpu.memory_space<vmem>>, vector<1x4x1024xf32>
      %get3A_61 = vector.shape_cast %get3A_60 : vector<1x4x1024xf32> to vector<4x1024xf32>
      %get3A_62 = arith.constant 0 : index
      %get3A_63 = arith.constant 0 : index
      %get3A_64 = arith.constant 0 : index
      %get3A_65 = vector.load %arg17[%get3A_62, %get3A_63, %get3A_64] : memref<1x4x1024xf32, #tpu.memory_space<vmem>>, vector<1x4x1024xf32>
      %get3A_66 = vector.shape_cast %get3A_65 : vector<1x4x1024xf32> to vector<4x1024xf32>
      %get3A_67 = arith.constant 0 : index
      %get3A_68 = arith.constant 0 : index
      %get3A_69 = arith.constant 0 : index
      %get3A_70 = vector.load %arg18[%get3A_67, %get3A_68, %get3A_69] : memref<1x4x1024xf32, #tpu.memory_space<vmem>>, vector<1x4x1024xf32>
      %get3A_71 = vector.shape_cast %get3A_70 : vector<1x4x1024xf32> to vector<4x1024xf32>
      %get3A_72 = arith.constant 0 : index
      %get3A_73 = arith.constant 0 : index
      %get3A_74 = arith.constant 0 : index
      %get3A_75 = vector.load %arg19[%get3A_72, %get3A_73, %get3A_74] : memref<1x4x1024xf32, #tpu.memory_space<vmem>>, vector<1x4x1024xf32>
      %get3A_76 = vector.shape_cast %get3A_75 : vector<1x4x1024xf32> to vector<4x1024xf32>
      %get3A_77 = arith.constant 0 : index
      %get3A_78 = arith.constant 0 : index
      %get3A_79 = arith.constant 0 : index
      %get3A_80 = vector.load %arg20[%get3A_77, %get3A_78, %get3A_79] : memref<1x4x1024xf32, #tpu.memory_space<vmem>>, vector<1x4x1024xf32>
      %get3A_81 = vector.shape_cast %get3A_80 : vector<1x4x1024xf32> to vector<4x1024xf32>
      %get3A_82 = arith.constant 0 : index
      %get3A_83 = arith.constant 0 : index
      %get3A_84 = arith.constant 0 : index
      %get3A_85 = vector.load %arg21[%get3A_82, %get3A_83, %get3A_84] : memref<1x4x1024xf32, #tpu.memory_space<vmem>>, vector<1x4x1024xf32>
      %get3A_86 = vector.shape_cast %get3A_85 : vector<1x4x1024xf32> to vector<4x1024xf32>
      %get3A_87 = arith.constant 0 : index
      %get3A_88 = arith.constant 0 : index
      %get3A_89 = arith.constant 0 : index
      %get3A_90 = vector.load %arg22[%get3A_87, %get3A_88, %get3A_89] : memref<1x4x1024xf32, #tpu.memory_space<vmem>>, vector<1x4x1024xf32>
      %get3A_91 = vector.shape_cast %get3A_90 : vector<1x4x1024xf32> to vector<4x1024xf32>
      %get3A_92 = arith.constant 0 : index
      %get3A_93 = arith.constant 0 : index
      %get3A_94 = arith.constant 0 : index
      %get3A_95 = vector.load %arg23[%get3A_92, %get3A_93, %get3A_94] : memref<1x4x1024xf32, #tpu.memory_space<vmem>>, vector<1x4x1024xf32>
      %get3A_96 = vector.shape_cast %get3A_95 : vector<1x4x1024xf32> to vector<4x1024xf32>
      %get3A_97 = arith.constant 0 : index
      %get3A_98 = arith.constant 0 : index
      %get3A_99 = arith.constant 0 : index
      %get3A_100 = vector.load %arg24[%get3A_97, %get3A_98, %get3A_99] : memref<1x4x1024xf32, #tpu.memory_space<vmem>>, vector<1x4x1024xf32>
      %get3A_101 = vector.shape_cast %get3A_100 : vector<1x4x1024xf32> to vector<4x1024xf32>
      %get3A_102 = arith.constant 0 : index
      %get3A_103 = arith.constant 0 : index
      %get3A_104 = arith.constant 0 : index
      %get3A_105 = vector.load %arg25[%get3A_102, %get3A_103, %get3A_104] : memref<1x4x1024xf32, #tpu.memory_space<vmem>>, vector<1x4x1024xf32>
      %get3A_106 = vector.shape_cast %get3A_105 : vector<1x4x1024xf32> to vector<4x1024xf32>
      %get3A_107 = arith.constant 0 : index
      %get3A_108 = arith.constant 0 : index
      %get3A_109 = arith.constant 0 : index
      %get3A_110 = vector.load %arg26[%get3A_107, %get3A_108, %get3A_109] : memref<1x4x1024xf32, #tpu.memory_space<vmem>>, vector<1x4x1024xf32>
      %get3A_111 = vector.shape_cast %get3A_110 : vector<1x4x1024xf32> to vector<4x1024xf32>
      %get3A_112 = arith.constant 0 : index
      %get3A_113 = arith.constant 0 : index
      %get3A_114 = arith.constant 0 : index
      %get3A_115 = vector.load %arg27[%get3A_112, %get3A_113, %get3A_114] : memref<1x4x1024xf32, #tpu.memory_space<vmem>>, vector<1x4x1024xf32>
      %get3A_116 = vector.shape_cast %get3A_115 : vector<1x4x1024xf32> to vector<4x1024xf32>
      %get3A_117 = arith.constant 0 : index
      %get3A_118 = arith.constant 0 : index
      %get3A_119 = arith.constant 0 : index
      %get3A_120 = vector.load %arg28[%get3A_117, %get3A_118, %get3A_119] : memref<1x4x1024xf32, #tpu.memory_space<vmem>>, vector<1x4x1024xf32>
      %get3A_121 = vector.shape_cast %get3A_120 : vector<1x4x1024xf32> to vector<4x1024xf32>
      %get3A_122 = arith.constant 0 : index
      %get3A_123 = arith.constant 0 : index
      %get3A_124 = arith.constant 0 : index
      %get3A_125 = vector.load %arg29[%get3A_122, %get3A_123, %get3A_124] : memref<1x4x1024xf32, #tpu.memory_space<vmem>>, vector<1x4x1024xf32>
      %get3A_126 = vector.shape_cast %get3A_125 : vector<1x4x1024xf32> to vector<4x1024xf32>
      %get3A_127 = arith.constant 0 : index
      %get3A_128 = arith.constant 0 : index
      %get3A_129 = arith.constant 0 : index
      %get3A_130 = vector.load %arg30[%get3A_127, %get3A_128, %get3A_129] : memref<1x4x1024xf32, #tpu.memory_space<vmem>>, vector<1x4x1024xf32>
      %get3A_131 = vector.shape_cast %get3A_130 : vector<1x4x1024xf32> to vector<4x1024xf32>
      %get3A_132 = arith.constant 0 : index
      %get3A_133 = arith.constant 0 : index
      %get3A_134 = arith.constant 0 : index
      %get3A_135 = vector.load %arg31[%get3A_132, %get3A_133, %get3A_134] : memref<1x4x1024xf32, #tpu.memory_space<vmem>>, vector<1x4x1024xf32>
      %get3A_136 = vector.shape_cast %get3A_135 : vector<1x4x1024xf32> to vector<4x1024xf32>
      %get3A_137 = arith.constant 0 : index
      %get3A_138 = arith.constant 0 : index
      %get3A_139 = arith.constant 0 : index
      %get3A_140 = vector.load %arg32[%get3A_137, %get3A_138, %get3A_139] : memref<1x4x1024xf32, #tpu.memory_space<vmem>>, vector<1x4x1024xf32>
      %get3A_141 = vector.shape_cast %get3A_140 : vector<1x4x1024xf32> to vector<4x1024xf32>
      %get3A_142 = arith.constant 0 : index
      %get3A_143 = arith.constant 0 : index
      %get3A_144 = arith.constant 0 : index
      %get3A_145 = vector.load %arg33[%get3A_142, %get3A_143, %get3A_144] : memref<1x4x1024xf32, #tpu.memory_space<vmem>>, vector<1x4x1024xf32>
      %get3A_146 = vector.shape_cast %get3A_145 : vector<1x4x1024xf32> to vector<4x1024xf32>
      %get3A_147 = arith.constant 0 : index
      %get3A_148 = arith.constant 0 : index
      %get3A_149 = arith.constant 0 : index
      %get3A_150 = vector.load %arg34[%get3A_147, %get3A_148, %get3A_149] : memref<1x4x1024xf32, #tpu.memory_space<vmem>>, vector<1x4x1024xf32>
      %get3A_151 = vector.shape_cast %get3A_150 : vector<1x4x1024xf32> to vector<4x1024xf32>
      %get3A_152 = arith.constant 0 : index
      %get3A_153 = arith.constant 0 : index
      %get3A_154 = arith.constant 0 : index
      %get3A_155 = vector.load %arg35[%get3A_152, %get3A_153, %get3A_154] : memref<1x4x1024xf32, #tpu.memory_space<vmem>>, vector<1x4x1024xf32>
      %get3A_156 = vector.shape_cast %get3A_155 : vector<1x4x1024xf32> to vector<4x1024xf32>
      %get3A_157 = arith.constant 0 : index
      %get3A_158 = arith.constant 0 : index
      %get3A_159 = arith.constant 0 : index
      %get3A_160 = vector.load %arg36[%get3A_157, %get3A_158, %get3A_159] : memref<1x4x1024xf32, #tpu.memory_space<vmem>>, vector<1x4x1024xf32>
      %get3A_161 = vector.shape_cast %get3A_160 : vector<1x4x1024xf32> to vector<4x1024xf32>
      %get3A_162 = arith.constant 0 : index
      %get3A_163 = arith.constant 0 : index
      %get3A_164 = arith.constant 0 : index
      %get3A_165 = vector.load %arg37[%get3A_162, %get3A_163, %get3A_164] : memref<1x4x1024xf32, #tpu.memory_space<vmem>>, vector<1x4x1024xf32>
      %get3A_166 = vector.shape_cast %get3A_165 : vector<1x4x1024xf32> to vector<4x1024xf32>
      %get3A_167 = arith.constant 0 : index
      %get3A_168 = arith.constant 0 : index
      %get3A_169 = arith.constant 0 : index
      %get3A_170 = vector.load %arg38[%get3A_167, %get3A_168, %get3A_169] : memref<1x4x1024xf32, #tpu.memory_space<vmem>>, vector<1x4x1024xf32>
      %get3A_171 = vector.shape_cast %get3A_170 : vector<1x4x1024xf32> to vector<4x1024xf32>
      %get3A_172 = arith.constant 0 : index
      %get3A_173 = arith.constant 0 : index
      %get3A_174 = arith.constant 0 : index
      %get3A_175 = vector.load %arg39[%get3A_172, %get3A_173, %get3A_174] : memref<1x4x1024xf32, #tpu.memory_space<vmem>>, vector<1x4x1024xf32>
      %get3A_176 = vector.shape_cast %get3A_175 : vector<1x4x1024xf32> to vector<4x1024xf32>
      %get3A_177 = arith.constant 0 : index
      %get3A_178 = arith.constant 0 : index
      %get3A_179 = arith.constant 0 : index
      %get3A_180 = vector.load %arg40[%get3A_177, %get3A_178, %get3A_179] : memref<1x4x1024xf32, #tpu.memory_space<vmem>>, vector<1x4x1024xf32>
      %get3A_181 = vector.shape_cast %get3A_180 : vector<1x4x1024xf32> to vector<4x1024xf32>
      %get3A_182 = arith.constant 0 : index
      %get3A_183 = arith.constant 0 : index
      %get3A_184 = arith.constant 0 : index
      %get3A_185 = vector.load %arg41[%get3A_182, %get3A_183, %get3A_184] : memref<1x4x1024xf32, #tpu.memory_space<vmem>>, vector<1x4x1024xf32>
      %get3A_186 = vector.shape_cast %get3A_185 : vector<1x4x1024xf32> to vector<4x1024xf32>
      %get3A_187 = arith.constant 0 : index
      %get3A_188 = arith.constant 0 : index
      %get3A_189 = arith.constant 0 : index
      %get3A_190 = vector.load %arg42[%get3A_187, %get3A_188, %get3A_189] : memref<1x4x1024xf32, #tpu.memory_space<vmem>>, vector<1x4x1024xf32>
      %get3A_191 = vector.shape_cast %get3A_190 : vector<1x4x1024xf32> to vector<4x1024xf32>
      %get3A_192 = arith.constant 0 : index
      %get3A_193 = arith.constant 0 : index
      %get3A_194 = arith.constant 0 : index
      %get3A_195 = vector.load %arg43[%get3A_192, %get3A_193, %get3A_194] : memref<1x4x1024xf32, #tpu.memory_space<vmem>>, vector<1x4x1024xf32>
      %get3A_196 = vector.shape_cast %get3A_195 : vector<1x4x1024xf32> to vector<4x1024xf32>
      %get3A_197 = arith.constant 0 : index
      %get3A_198 = arith.constant 0 : index
      %get3A_199 = arith.constant 0 : index
      %get3A_200 = vector.load %arg44[%get3A_197, %get3A_198, %get3A_199] : memref<1x4x1024xf32, #tpu.memory_space<vmem>>, vector<1x4x1024xf32>
      %get3A_201 = vector.shape_cast %get3A_200 : vector<1x4x1024xf32> to vector<4x1024xf32>
      %get3A_202 = arith.constant 0 : index
      %get3A_203 = arith.constant 0 : index
      %get3A_204 = arith.constant 0 : index
      %get3A_205 = vector.load %arg45[%get3A_202, %get3A_203, %get3A_204] : memref<1x4x1024xf32, #tpu.memory_space<vmem>>, vector<1x4x1024xf32>
      %get3A_206 = vector.shape_cast %get3A_205 : vector<1x4x1024xf32> to vector<4x1024xf32>
      %get3A_207 = arith.constant 0 : index
      %get3A_208 = arith.constant 0 : index
      %get3A_209 = arith.constant 0 : index
      %get3A_210 = vector.load %arg46[%get3A_207, %get3A_208, %get3A_209] : memref<1x4x1024xf32, #tpu.memory_space<vmem>>, vector<1x4x1024xf32>
      %get3A_211 = vector.shape_cast %get3A_210 : vector<1x4x1024xf32> to vector<4x1024xf32>
      %get3A_212 = arith.constant 0 : index
      %get3A_213 = arith.constant 0 : index
      %get3A_214 = arith.constant 0 : index
      %get3A_215 = vector.load %arg47[%get3A_212, %get3A_213, %get3A_214] : memref<1x4x1024xf32, #tpu.memory_space<vmem>>, vector<1x4x1024xf32>
      %get3A_216 = vector.shape_cast %get3A_215 : vector<1x4x1024xf32> to vector<4x1024xf32>
      %get3A_217 = arith.constant 0 : index
      %get3A_218 = arith.constant 0 : index
      %get3A_219 = arith.constant 0 : index
      %get3A_220 = vector.load %arg48[%get3A_217, %get3A_218, %get3A_219] : memref<1x4x1024xf32, #tpu.memory_space<vmem>>, vector<1x4x1024xf32>
      %get3A_221 = vector.shape_cast %get3A_220 : vector<1x4x1024xf32> to vector<4x1024xf32>
      %get3A_222 = arith.constant 0 : index
      %get3A_223 = arith.constant 0 : index
      %get3A_224 = arith.constant 0 : index
      %get3A_225 = vector.load %arg49[%get3A_222, %get3A_223, %get3A_224] : memref<1x4x1024xf32, #tpu.memory_space<vmem>>, vector<1x4x1024xf32>
      %get3A_226 = vector.shape_cast %get3A_225 : vector<1x4x1024xf32> to vector<4x1024xf32>
      %get3A_227 = arith.constant 0 : index
      %get3A_228 = arith.constant 0 : index
      %get3A_229 = arith.constant 0 : index
      %get3A_230 = vector.load %arg50[%get3A_227, %get3A_228, %get3A_229] : memref<1x4x1024xf32, #tpu.memory_space<vmem>>, vector<1x4x1024xf32>
      %get3A_231 = vector.shape_cast %get3A_230 : vector<1x4x1024xf32> to vector<4x1024xf32>
      %get3A_232 = arith.constant 0 : index
      %get3A_233 = arith.constant 0 : index
      %get3A_234 = arith.constant 0 : index
      %get3A_235 = vector.load %arg51[%get3A_232, %get3A_233, %get3A_234] : memref<1x4x1024xf32, #tpu.memory_space<vmem>>, vector<1x4x1024xf32>
      %get3A_236 = vector.shape_cast %get3A_235 : vector<1x4x1024xf32> to vector<4x1024xf32>
      %get3A_237 = arith.constant 0 : index
      %get3A_238 = arith.constant 0 : index
      %get3A_239 = arith.constant 0 : index
      %get3A_240 = vector.load %arg52[%get3A_237, %get3A_238, %get3A_239] : memref<1x4x1024xf32, #tpu.memory_space<vmem>>, vector<1x4x1024xf32>
      %get3A_241 = vector.shape_cast %get3A_240 : vector<1x4x1024xf32> to vector<4x1024xf32>
      %get3A_242 = arith.constant 0 : index
      %get3A_243 = arith.constant 0 : index
      %get3A_244 = arith.constant 0 : index
      %get3A_245 = vector.load %arg53[%get3A_242, %get3A_243, %get3A_244] : memref<1x4x1024xf32, #tpu.memory_space<vmem>>, vector<1x4x1024xf32>
      %get3A_246 = vector.shape_cast %get3A_245 : vector<1x4x1024xf32> to vector<4x1024xf32>
      %get3A_247 = arith.constant 0 : index
      %get3A_248 = arith.constant 0 : index
      %get3A_249 = arith.constant 0 : index
      %get3A_250 = vector.load %arg54[%get3A_247, %get3A_248, %get3A_249] : memref<1x4x1024xf32, #tpu.memory_space<vmem>>, vector<1x4x1024xf32>
      %get3A_251 = vector.shape_cast %get3A_250 : vector<1x4x1024xf32> to vector<4x1024xf32>
      %get3A_252 = arith.constant 0 : index
      %get3A_253 = arith.constant 0 : index
      %get3A_254 = arith.constant 0 : index
      %get3A_255 = vector.load %arg55[%get3A_252, %get3A_253, %get3A_254] : memref<1x4x1024xf32, #tpu.memory_space<vmem>>, vector<1x4x1024xf32>
      %get3A_256 = vector.shape_cast %get3A_255 : vector<1x4x1024xf32> to vector<4x1024xf32>
      %get3A_257 = arith.constant 0 : index
      %get3A_258 = arith.constant 0 : index
      %get3A_259 = arith.constant 0 : index
      %get3A_260 = vector.load %arg56[%get3A_257, %get3A_258, %get3A_259] : memref<1x4x1024xf32, #tpu.memory_space<vmem>>, vector<1x4x1024xf32>
      %get3A_261 = vector.shape_cast %get3A_260 : vector<1x4x1024xf32> to vector<4x1024xf32>
      %get3A_262 = arith.constant 0 : index
      %get3A_263 = arith.constant 0 : index
      %get3A_264 = arith.constant 0 : index
      %get3A_265 = vector.load %arg57[%get3A_262, %get3A_263, %get3A_264] : memref<1x4x1024xf32, #tpu.memory_space<vmem>>, vector<1x4x1024xf32>
      %get3A_266 = vector.shape_cast %get3A_265 : vector<1x4x1024xf32> to vector<4x1024xf32>
      %get3A_267 = arith.constant 0 : index
      %get3A_268 = arith.constant 0 : index
      %get3A_269 = arith.constant 0 : index
      %get3A_270 = vector.load %arg58[%get3A_267, %get3A_268, %get3A_269] : memref<1x4x1024xf32, #tpu.memory_space<vmem>>, vector<1x4x1024xf32>
      %get3A_271 = vector.shape_cast %get3A_270 : vector<1x4x1024xf32> to vector<4x1024xf32>
      %get3A_272 = arith.constant 0 : index
      %get3A_273 = arith.constant 0 : index
      %get3A_274 = arith.constant 0 : index
      %get3A_275 = vector.load %arg59[%get3A_272, %get3A_273, %get3A_274] : memref<1x4x1024xf32, #tpu.memory_space<vmem>>, vector<1x4x1024xf32>
      %get3A_276 = vector.shape_cast %get3A_275 : vector<1x4x1024xf32> to vector<4x1024xf32>
      %get3A_277 = arith.constant 0 : index
      %get3A_278 = arith.constant 0 : index
      %get3A_279 = arith.constant 0 : index
      %get3A_280 = vector.load %arg60[%get3A_277, %get3A_278, %get3A_279] : memref<1x4x1024xf32, #tpu.memory_space<vmem>>, vector<1x4x1024xf32>
      %get3A_281 = vector.shape_cast %get3A_280 : vector<1x4x1024xf32> to vector<4x1024xf32>
      %get3A_282 = arith.constant 0 : index
      %get3A_283 = arith.constant 0 : index
      %get3A_284 = arith.constant 0 : index
      %get3A_285 = vector.load %arg61[%get3A_282, %get3A_283, %get3A_284] : memref<1x4x1024xf32, #tpu.memory_space<vmem>>, vector<1x4x1024xf32>
      %get3A_286 = vector.shape_cast %get3A_285 : vector<1x4x1024xf32> to vector<4x1024xf32>
      %get3A_287 = arith.constant 0 : index
      %get3A_288 = arith.constant 0 : index
      %get3A_289 = arith.constant 0 : index
      %get3A_290 = vector.load %arg62[%get3A_287, %get3A_288, %get3A_289] : memref<1x4x1024xf32, #tpu.memory_space<vmem>>, vector<1x4x1024xf32>
      %get3A_291 = vector.shape_cast %get3A_290 : vector<1x4x1024xf32> to vector<4x1024xf32>
      %get3A_292 = arith.constant 0 : index
      %get3A_293 = arith.constant 0 : index
      %get3A_294 = arith.constant 0 : index
      %get3A_295 = vector.load %arg63[%get3A_292, %get3A_293, %get3A_294] : memref<1x4x1024xf32, #tpu.memory_space<vmem>>, vector<1x4x1024xf32>
      %get3A_296 = vector.shape_cast %get3A_295 : vector<1x4x1024xf32> to vector<4x1024xf32>
      %get3A_297 = arith.constant 0 : index
      %get3A_298 = arith.constant 0 : index
      %get3A_299 = arith.constant 0 : index
      %get3A_300 = vector.load %arg64[%get3A_297, %get3A_298, %get3A_299] : memref<1x4x1024xf32, #tpu.memory_space<vmem>>, vector<1x4x1024xf32>
      %get3A_301 = vector.shape_cast %get3A_300 : vector<1x4x1024xf32> to vector<4x1024xf32>
      %get3A_302 = arith.constant 0 : index
      %get3A_303 = arith.constant 0 : index
      %get3A_304 = arith.constant 0 : index
      %get3A_305 = vector.load %arg65[%get3A_302, %get3A_303, %get3A_304] : memref<1x4x1024xf32, #tpu.memory_space<vmem>>, vector<1x4x1024xf32>
      %get3A_306 = vector.shape_cast %get3A_305 : vector<1x4x1024xf32> to vector<4x1024xf32>
      %get3A_307 = arith.constant 0 : index
      %get3A_308 = arith.constant 0 : index
      %get3A_309 = arith.constant 0 : index
      %get3A_310 = vector.load %arg66[%get3A_307, %get3A_308, %get3A_309] : memref<1x4x1024xf32, #tpu.memory_space<vmem>>, vector<1x4x1024xf32>
      %get3A_311 = vector.shape_cast %get3A_310 : vector<1x4x1024xf32> to vector<4x1024xf32>
      %get3A_312 = arith.constant 0 : index
      %get3A_313 = arith.constant 0 : index
      %get3A_314 = arith.constant 0 : index
      %get3A_315 = vector.load %arg67[%get3A_312, %get3A_313, %get3A_314] : memref<1x4x1024xf32, #tpu.memory_space<vmem>>, vector<1x4x1024xf32>
      %get3A_316 = vector.shape_cast %get3A_315 : vector<1x4x1024xf32> to vector<4x1024xf32>
      %get3A_317 = arith.constant 0 : index
      %get3A_318 = arith.constant 0 : index
      %get3A_319 = arith.constant 0 : index
      %get3A_320 = vector.load %arg68[%get3A_317, %get3A_318, %get3A_319] : memref<1x4x1024xf32, #tpu.memory_space<vmem>>, vector<1x4x1024xf32>
      %get3A_321 = vector.shape_cast %get3A_320 : vector<1x4x1024xf32> to vector<4x1024xf32>
      %concatenate3A = tpu.concatenate %get3A_6, %get3A_11, %get3A_16, %get3A_21, %get3A_26, %get3A_31, %get3A_36, %get3A_41, %get3A_46, %get3A_51, %get3A_56, %get3A_61, %get3A_66, %get3A_71, %get3A_76, %get3A_81, %get3A_86, %get3A_91, %get3A_96, %get3A_101, %get3A_106, %get3A_111, %get3A_116, %get3A_121, %get3A_126, %get3A_131, %get3A_136, %get3A_141, %get3A_146, %get3A_151, %get3A_156, %get3A_161, %get3A_166, %get3A_171, %get3A_176, %get3A_181, %get3A_186, %get3A_191, %get3A_196, %get3A_201, %get3A_206, %get3A_211, %get3A_216, %get3A_221, %get3A_226, %get3A_231, %get3A_236, %get3A_241, %get3A_246, %get3A_251, %get3A_256, %get3A_261, %get3A_266, %get3A_271, %get3A_276, %get3A_281, %get3A_286, %get3A_291, %get3A_296, %get3A_301, %get3A_306, %get3A_311, %get3A_316, %get3A_321 in 0 : vector<4x1024xf32>, vector<4x1024xf32>, vector<4x1024xf32>, vector<4x1024xf32>, vector<4x1024xf32>, vector<4x1024xf32>, vector<4x1024xf32>, vector<4x1024xf32>, vector<4x1024xf32>, vector<4x1024xf32>, vector<4x1024xf32>, vector<4x1024xf32>, vector<4x1024xf32>, vector<4x1024xf32>, vector<4x1024xf32>, vector<4x1024xf32>, vector<4x1024xf32>, vector<4x1024xf32>, vector<4x1024xf32>, vector<4x1024xf32>, vector<4x1024xf32>, vector<4x1024xf32>, vector<4x1024xf32>, vector<4x1024xf32>, vector<4x1024xf32>, vector<4x1024xf32>, vector<4x1024xf32>, vector<4x1024xf32>, vector<4x1024xf32>, vector<4x1024xf32>, vector<4x1024xf32>, vector<4x1024xf32>, vector<4x1024xf32>, vector<4x1024xf32>, vector<4x1024xf32>, vector<4x1024xf32>, vector<4x1024xf32>, vector<4x1024xf32>, vector<4x1024xf32>, vector<4x1024xf32>, vector<4x1024xf32>, vector<4x1024xf32>, vector<4x1024xf32>, vector<4x1024xf32>, vector<4x1024xf32>, vector<4x1024xf32>, vector<4x1024xf32>, vector<4x1024xf32>, vector<4x1024xf32>, vector<4x1024xf32>, vector<4x1024xf32>, vector<4x1024xf32>, vector<4x1024xf32>, vector<4x1024xf32>, vector<4x1024xf32>, vector<4x1024xf32>, vector<4x1024xf32>, vector<4x1024xf32>, vector<4x1024xf32>, vector<4x1024xf32>, vector<4x1024xf32>, vector<4x1024xf32>, vector<4x1024xf32>, vector<4x1024xf32> -> vector<256x1024xf32>
      %get3A_322 = arith.constant 0 : index
      %get3A_323 = arith.constant 0 : index
      %get3A_324 = arith.constant 0 : index
      %get3A_325 = vector.load %arg69[%get3A_322, %get3A_323, %get3A_324] : memref<1x1024x1024xf32, #tpu.memory_space<vmem>>, vector<1x1024x1024xf32>
      %get3A_326 = vector.shape_cast %get3A_325 : vector<1x1024x1024xf32> to vector<1024x1024xf32>
      %dot_general3A = arith.constant dense<0.000000e+00> : vector<256x1024xf32>
      %dot_general3A_327 = tpu.matmul %concatenate3A, %get3A_326, %dot_general3A {dimension_numbers = #tpu.dot_dimension_numbers<[1], [1], [0], [0], [0, 0, 1, 0], [], []>, transpose_lhs_hint = false} : vector<256x1024xf32>, vector<1024x1024xf32>, vector<256x1024xf32> -> vector<256x1024xf32>
      %reshape3A = vector.shape_cast %dot_general3A_327 : vector<256x1024xf32> to vector<64x4x1024xf32>
      %swap3A = arith.constant 0 : index
      %swap3A_328 = arith.constant 0 : index
      %swap3A_329 = arith.constant 0 : index
      %swap3A_330 = vector.load %arg70[%swap3A, %swap3A_328, %swap3A_329] : memref<64x4x1024xf32, #tpu.memory_space<vmem>>, vector<64x4x1024xf32>
      tpu.vector_store %arg70[%swap3A, %swap3A_328, %swap3A_329], %reshape3A {strides = array<i32>} : memref<64x4x1024xf32, #tpu.memory_space<vmem>>, vector<64x4x1024xf32>,
    } else {
    }
    return
  }
  func.func @transform_0(%arg0: i32, %arg1: memref<8192xi32, #tpu.memory_space<smem>>, %arg2: memref<128xi32, #tpu.memory_space<smem>>, %arg3: memref<128xi32, #tpu.memory_space<smem>>, %arg4: memref<1xi32, #tpu.memory_space<smem>>) -> (i32, i32, i32) {
    %mul3A = arith.constant 64 : i32
    %mul3A_0 = arith.muli %mul3A, %arg0 : i32
    %add3A = arith.constant 0 : i32
    %add3A_1 = arith.addi %mul3A_0, %add3A : i32
    %get3A = arith.index_cast %add3A_1 : i32 to index
    %get3A_2 = memref.load %arg1[%get3A] : memref<8192xi32, #tpu.memory_space<smem>>
    %c0_i32 = arith.constant 0 : i32
    %c0_i32_3 = arith.constant 0 : i32
    %c0_i32_4 = arith.constant 0 : i32
    return %get3A_2, %c0_i32, %c0_i32_3 : i32, i32, i32
  }
  func.func @transform_1(%arg0: i32, %arg1: memref<8192xi32, #tpu.memory_space<smem>>, %arg2: memref<128xi32, #tpu.memory_space<smem>>, %arg3: memref<128xi32, #tpu.memory_space<smem>>, %arg4: memref<1xi32, #tpu.memory_space<smem>>) -> (i32, i32, i32) {
    %mul3A = arith.constant 64 : i32
    %mul3A_0 = arith.muli %mul3A, %arg0 : i32
    %add3A = arith.constant 1 : i32
    %add3A_1 = arith.addi %mul3A_0, %add3A : i32
    %get3A = arith.index_cast %add3A_1 : i32 to index
    %get3A_2 = memref.load %arg1[%get3A] : memref<8192xi32, #tpu.memory_space<smem>>
    %c0_i32 = arith.constant 0 : i32
    %c0_i32_3 = arith.constant 0 : i32
    %c0_i32_4 = arith.constant 0 : i32
    return %get3A_2, %c0_i32, %c0_i32_3 : i32, i32, i32
  }
  func.func @transform_2(%arg0: i32, %arg1: memref<8192xi32, #tpu.memory_space<smem>>, %arg2: memref<128xi32, #tpu.memory_space<smem>>, %arg3: memref<128xi32, #tpu.memory_space<smem>>, %arg4: memref<1xi32, #tpu.memory_space<smem>>) -> (i32, i32, i32) {
    %mul3A = arith.constant 64 : i32
    %mul3A_0 = arith.muli %mul3A, %arg0 : i32
    %add3A = arith.constant 2 : i32
    %add3A_1 = arith.addi %mul3A_0, %add3A : i32
    %get3A = arith.index_cast %add3A_1 : i32 to index
    %get3A_2 = memref.load %arg1[%get3A] : memref<8192xi32, #tpu.memory_space<smem>>
    %c0_i32 = arith.constant 0 : i32
    %c0_i32_3 = arith.constant 0 : i32
    %c0_i32_4 = arith.constant 0 : i32
    return %get3A_2, %c0_i32, %c0_i32_3 : i32, i32, i32
  }
  func.func @transform_3(%arg0: i32, %arg1: memref<8192xi32, #tpu.memory_space<smem>>, %arg2: memref<128xi32, #tpu.memory_space<smem>>, %arg3: memref<128xi32, #tpu.memory_space<smem>>, %arg4: memref<1xi32, #tpu.memory_space<smem>>) -> (i32, i32, i32) {
    %mul3A = arith.constant 64 : i32
    %mul3A_0 = arith.muli %mul3A, %arg0 : i32
    %add3A = arith.constant 3 : i32
    %add3A_1 = arith.addi %mul3A_0, %add3A : i32
    %get3A = arith.index_cast %add3A_1 : i32 to index
    %get3A_2 = memref.load %arg1[%get3A] : memref<8192xi32, #tpu.memory_space<smem>>
    %c0_i32 = arith.constant 0 : i32
    %c0_i32_3 = arith.constant 0 : i32
    %c0_i32_4 = arith.constant 0 : i32
    return %get3A_2, %c0_i32, %c0_i32_3 : i32, i32, i32
  }
  func.func @transform_4(%arg0: i32, %arg1: memref<8192xi32, #tpu.memory_space<smem>>, %arg2: memref<128xi32, #tpu.memory_space<smem>>, %arg3: memref<128xi32, #tpu.memory_space<smem>>, %arg4: memref<1xi32, #tpu.memory_space<smem>>) -> (i32, i32, i32) {
    %mul3A = arith.constant 64 : i32
    %mul3A_0 = arith.muli %mul3A, %arg0 : i32
    %add3A = arith.constant 4 : i32
    %add3A_1 = arith.addi %mul3A_0, %add3A : i32
    %get3A = arith.index_cast %add3A_1 : i32 to index
    %get3A_2 = memref.load %arg1[%get3A] : memref<8192xi32, #tpu.memory_space<smem>>
    %c0_i32 = arith.constant 0 : i32
    %c0_i32_3 = arith.constant 0 : i32
    %c0_i32_4 = arith.constant 0 : i32
    return %get3A_2, %c0_i32, %c0_i32_3 : i32, i32, i32
  }
  func.func @transform_5(%arg0: i32, %arg1: memref<8192xi32, #tpu.memory_space<smem>>, %arg2: memref<128xi32, #tpu.memory_space<smem>>, %arg3: memref<128xi32, #tpu.memory_space<smem>>, %arg4: memref<1xi32, #tpu.memory_space<smem>>) -> (i32, i32, i32) {
    %mul3A = arith.constant 64 : i32
    %mul3A_0 = arith.muli %mul3A, %arg0 : i32
    %add3A = arith.constant 5 : i32
    %add3A_1 = arith.addi %mul3A_0, %add3A : i32
    %get3A = arith.index_cast %add3A_1 : i32 to index
    %get3A_2 = memref.load %arg1[%get3A] : memref<8192xi32, #tpu.memory_space<smem>>
    %c0_i32 = arith.constant 0 : i32
    %c0_i32_3 = arith.constant 0 : i32
    %c0_i32_4 = arith.constant 0 : i32
    return %get3A_2, %c0_i32, %c0_i32_3 : i32, i32, i32
  }
  func.func @transform_6(%arg0: i32, %arg1: memref<8192xi32, #tpu.memory_space<smem>>, %arg2: memref<128xi32, #tpu.memory_space<smem>>, %arg3: memref<128xi32, #tpu.memory_space<smem>>, %arg4: memref<1xi32, #tpu.memory_space<smem>>) -> (i32, i32, i32) {
    %mul3A = arith.constant 64 : i32
    %mul3A_0 = arith.muli %mul3A, %arg0 : i32
    %add3A = arith.constant 6 : i32
    %add3A_1 = arith.addi %mul3A_0, %add3A : i32
    %get3A = arith.index_cast %add3A_1 : i32 to index
    %get3A_2 = memref.load %arg1[%get3A] : memref<8192xi32, #tpu.memory_space<smem>>
    %c0_i32 = arith.constant 0 : i32
    %c0_i32_3 = arith.constant 0 : i32
    %c0_i32_4 = arith.constant 0 : i32
    return %get3A_2, %c0_i32, %c0_i32_3 : i32, i32, i32
  }
  func.func @transform_7(%arg0: i32, %arg1: memref<8192xi32, #tpu.memory_space<smem>>, %arg2: memref<128xi32, #tpu.memory_space<smem>>, %arg3: memref<128xi32, #tpu.memory_space<smem>>, %arg4: memref<1xi32, #tpu.memory_space<smem>>) -> (i32, i32, i32) {
    %mul3A = arith.constant 64 : i32
    %mul3A_0 = arith.muli %mul3A, %arg0 : i32
    %add3A = arith.constant 7 : i32
    %add3A_1 = arith.addi %mul3A_0, %add3A : i32
    %get3A = arith.index_cast %add3A_1 : i32 to index
    %get3A_2 = memref.load %arg1[%get3A] : memref<8192xi32, #tpu.memory_space<smem>>
    %c0_i32 = arith.constant 0 : i32
    %c0_i32_3 = arith.constant 0 : i32
    %c0_i32_4 = arith.constant 0 : i32
    return %get3A_2, %c0_i32, %c0_i32_3 : i32, i32, i32
  }
  func.func @transform_8(%arg0: i32, %arg1: memref<8192xi32, #tpu.memory_space<smem>>, %arg2: memref<128xi32, #tpu.memory_space<smem>>, %arg3: memref<128xi32, #tpu.memory_space<smem>>, %arg4: memref<1xi32, #tpu.memory_space<smem>>) -> (i32, i32, i32) {
    %mul3A = arith.constant 64 : i32
    %mul3A_0 = arith.muli %mul3A, %arg0 : i32
    %add3A = arith.constant 8 : i32
    %add3A_1 = arith.addi %mul3A_0, %add3A : i32
    %get3A = arith.index_cast %add3A_1 : i32 to index
    %get3A_2 = memref.load %arg1[%get3A] : memref<8192xi32, #tpu.memory_space<smem>>
    %c0_i32 = arith.constant 0 : i32
    %c0_i32_3 = arith.constant 0 : i32
    %c0_i32_4 = arith.constant 0 : i32
    return %get3A_2, %c0_i32, %c0_i32_3 : i32, i32, i32
  }
  func.func @transform_9(%arg0: i32, %arg1: memref<8192xi32, #tpu.memory_space<smem>>, %arg2: memref<128xi32, #tpu.memory_space<smem>>, %arg3: memref<128xi32, #tpu.memory_space<smem>>, %arg4: memref<1xi32, #tpu.memory_space<smem>>) -> (i32, i32, i32) {
    %mul3A = arith.constant 64 : i32
    %mul3A_0 = arith.muli %mul3A, %arg0 : i32
    %add3A = arith.constant 9 : i32
    %add3A_1 = arith.addi %mul3A_0, %add3A : i32
    %get3A = arith.index_cast %add3A_1 : i32 to index
    %get3A_2 = memref.load %arg1[%get3A] : memref<8192xi32, #tpu.memory_space<smem>>
    %c0_i32 = arith.constant 0 : i32
    %c0_i32_3 = arith.constant 0 : i32
    %c0_i32_4 = arith.constant 0 : i32
    return %get3A_2, %c0_i32, %c0_i32_3 : i32, i32, i32
  }
  func.func @transform_10(%arg0: i32, %arg1: memref<8192xi32, #tpu.memory_space<smem>>, %arg2: memref<128xi32, #tpu.memory_space<smem>>, %arg3: memref<128xi32, #tpu.memory_space<smem>>, %arg4: memref<1xi32, #tpu.memory_space<smem>>) -> (i32, i32, i32) {
    %mul3A = arith.constant 64 : i32
    %mul3A_0 = arith.muli %mul3A, %arg0 : i32
    %add3A = arith.constant 10 : i32
    %add3A_1 = arith.addi %mul3A_0, %add3A : i32
    %get3A = arith.index_cast %add3A_1 : i32 to index
    %get3A_2 = memref.load %arg1[%get3A] : memref<8192xi32, #tpu.memory_space<smem>>
    %c0_i32 = arith.constant 0 : i32
    %c0_i32_3 = arith.constant 0 : i32
    %c0_i32_4 = arith.constant 0 : i32
    return %get3A_2, %c0_i32, %c0_i32_3 : i32, i32, i32
  }
  func.func @transform_11(%arg0: i32, %arg1: memref<8192xi32, #tpu.memory_space<smem>>, %arg2: memref<128xi32, #tpu.memory_space<smem>>, %arg3: memref<128xi32, #tpu.memory_space<smem>>, %arg4: memref<1xi32, #tpu.memory_space<smem>>) -> (i32, i32, i32) {
    %mul3A = arith.constant 64 : i32
    %mul3A_0 = arith.muli %mul3A, %arg0 : i32
    %add3A = arith.constant 11 : i32
    %add3A_1 = arith.addi %mul3A_0, %add3A : i32
    %get3A = arith.index_cast %add3A_1 : i32 to index
    %get3A_2 = memref.load %arg1[%get3A] : memref<8192xi32, #tpu.memory_space<smem>>
    %c0_i32 = arith.constant 0 : i32
    %c0_i32_3 = arith.constant 0 : i32
    %c0_i32_4 = arith.constant 0 : i32
    return %get3A_2, %c0_i32, %c0_i32_3 : i32, i32, i32
  }
  func.func @transform_12(%arg0: i32, %arg1: memref<8192xi32, #tpu.memory_space<smem>>, %arg2: memref<128xi32, #tpu.memory_space<smem>>, %arg3: memref<128xi32, #tpu.memory_space<smem>>, %arg4: memref<1xi32, #tpu.memory_space<smem>>) -> (i32, i32, i32) {
    %mul3A = arith.constant 64 : i32
    %mul3A_0 = arith.muli %mul3A, %arg0 : i32
    %add3A = arith.constant 12 : i32
    %add3A_1 = arith.addi %mul3A_0, %add3A : i32
    %get3A = arith.index_cast %add3A_1 : i32 to index
    %get3A_2 = memref.load %arg1[%get3A] : memref<8192xi32, #tpu.memory_space<smem>>
    %c0_i32 = arith.constant 0 : i32
    %c0_i32_3 = arith.constant 0 : i32
    %c0_i32_4 = arith.constant 0 : i32
    return %get3A_2, %c0_i32, %c0_i32_3 : i32, i32, i32
  }
  func.func @transform_13(%arg0: i32, %arg1: memref<8192xi32, #tpu.memory_space<smem>>, %arg2: memref<128xi32, #tpu.memory_space<smem>>, %arg3: memref<128xi32, #tpu.memory_space<smem>>, %arg4: memref<1xi32, #tpu.memory_space<smem>>) -> (i32, i32, i32) {
    %mul3A = arith.constant 64 : i32
    %mul3A_0 = arith.muli %mul3A, %arg0 : i32
    %add3A = arith.constant 13 : i32
    %add3A_1 = arith.addi %mul3A_0, %add3A : i32
    %get3A = arith.index_cast %add3A_1 : i32 to index
    %get3A_2 = memref.load %arg1[%get3A] : memref<8192xi32, #tpu.memory_space<smem>>
    %c0_i32 = arith.constant 0 : i32
    %c0_i32_3 = arith.constant 0 : i32
    %c0_i32_4 = arith.constant 0 : i32
    return %get3A_2, %c0_i32, %c0_i32_3 : i32, i32, i32
  }
  func.func @transform_14(%arg0: i32, %arg1: memref<8192xi32, #tpu.memory_space<smem>>, %arg2: memref<128xi32, #tpu.memory_space<smem>>, %arg3: memref<128xi32, #tpu.memory_space<smem>>, %arg4: memref<1xi32, #tpu.memory_space<smem>>) -> (i32, i32, i32) {
    %mul3A = arith.constant 64 : i32
    %mul3A_0 = arith.muli %mul3A, %arg0 : i32
    %add3A = arith.constant 14 : i32
    %add3A_1 = arith.addi %mul3A_0, %add3A : i32
    %get3A = arith.index_cast %add3A_1 : i32 to index
    %get3A_2 = memref.load %arg1[%get3A] : memref<8192xi32, #tpu.memory_space<smem>>
    %c0_i32 = arith.constant 0 : i32
    %c0_i32_3 = arith.constant 0 : i32
    %c0_i32_4 = arith.constant 0 : i32
    return %get3A_2, %c0_i32, %c0_i32_3 : i32, i32, i32
  }
  func.func @transform_15(%arg0: i32, %arg1: memref<8192xi32, #tpu.memory_space<smem>>, %arg2: memref<128xi32, #tpu.memory_space<smem>>, %arg3: memref<128xi32, #tpu.memory_space<smem>>, %arg4: memref<1xi32, #tpu.memory_space<smem>>) -> (i32, i32, i32) {
    %mul3A = arith.constant 64 : i32
    %mul3A_0 = arith.muli %mul3A, %arg0 : i32
    %add3A = arith.constant 15 : i32
    %add3A_1 = arith.addi %mul3A_0, %add3A : i32
    %get3A = arith.index_cast %add3A_1 : i32 to index
    %get3A_2 = memref.load %arg1[%get3A] : memref<8192xi32, #tpu.memory_space<smem>>
    %c0_i32 = arith.constant 0 : i32
    %c0_i32_3 = arith.constant 0 : i32
    %c0_i32_4 = arith.constant 0 : i32
    return %get3A_2, %c0_i32, %c0_i32_3 : i32, i32, i32
  }
  func.func @transform_16(%arg0: i32, %arg1: memref<8192xi32, #tpu.memory_space<smem>>, %arg2: memref<128xi32, #tpu.memory_space<smem>>, %arg3: memref<128xi32, #tpu.memory_space<smem>>, %arg4: memref<1xi32, #tpu.memory_space<smem>>) -> (i32, i32, i32) {
    %mul3A = arith.constant 64 : i32
    %mul3A_0 = arith.muli %mul3A, %arg0 : i32
    %add3A = arith.constant 16 : i32
    %add3A_1 = arith.addi %mul3A_0, %add3A : i32
    %get3A = arith.index_cast %add3A_1 : i32 to index
    %get3A_2 = memref.load %arg1[%get3A] : memref<8192xi32, #tpu.memory_space<smem>>
    %c0_i32 = arith.constant 0 : i32
    %c0_i32_3 = arith.constant 0 : i32
    %c0_i32_4 = arith.constant 0 : i32
    return %get3A_2, %c0_i32, %c0_i32_3 : i32, i32, i32
  }
  func.func @transform_17(%arg0: i32, %arg1: memref<8192xi32, #tpu.memory_space<smem>>, %arg2: memref<128xi32, #tpu.memory_space<smem>>, %arg3: memref<128xi32, #tpu.memory_space<smem>>, %arg4: memref<1xi32, #tpu.memory_space<smem>>) -> (i32, i32, i32) {
    %mul3A = arith.constant 64 : i32
    %mul3A_0 = arith.muli %mul3A, %arg0 : i32
    %add3A = arith.constant 17 : i32
    %add3A_1 = arith.addi %mul3A_0, %add3A : i32
    %get3A = arith.index_cast %add3A_1 : i32 to index
    %get3A_2 = memref.load %arg1[%get3A] : memref<8192xi32, #tpu.memory_space<smem>>
    %c0_i32 = arith.constant 0 : i32
    %c0_i32_3 = arith.constant 0 : i32
    %c0_i32_4 = arith.constant 0 : i32
    return %get3A_2, %c0_i32, %c0_i32_3 : i32, i32, i32
  }
  func.func @transform_18(%arg0: i32, %arg1: memref<8192xi32, #tpu.memory_space<smem>>, %arg2: memref<128xi32, #tpu.memory_space<smem>>, %arg3: memref<128xi32, #tpu.memory_space<smem>>, %arg4: memref<1xi32, #tpu.memory_space<smem>>) -> (i32, i32, i32) {
    %mul3A = arith.constant 64 : i32
    %mul3A_0 = arith.muli %mul3A, %arg0 : i32
    %add3A = arith.constant 18 : i32
    %add3A_1 = arith.addi %mul3A_0, %add3A : i32
    %get3A = arith.index_cast %add3A_1 : i32 to index
    %get3A_2 = memref.load %arg1[%get3A] : memref<8192xi32, #tpu.memory_space<smem>>
    %c0_i32 = arith.constant 0 : i32
    %c0_i32_3 = arith.constant 0 : i32
    %c0_i32_4 = arith.constant 0 : i32
    return %get3A_2, %c0_i32, %c0_i32_3 : i32, i32, i32
  }
  func.func @transform_19(%arg0: i32, %arg1: memref<8192xi32, #tpu.memory_space<smem>>, %arg2: memref<128xi32, #tpu.memory_space<smem>>, %arg3: memref<128xi32, #tpu.memory_space<smem>>, %arg4: memref<1xi32, #tpu.memory_space<smem>>) -> (i32, i32, i32) {
    %mul3A = arith.constant 64 : i32
    %mul3A_0 = arith.muli %mul3A, %arg0 : i32
    %add3A = arith.constant 19 : i32
    %add3A_1 = arith.addi %mul3A_0, %add3A : i32
    %get3A = arith.index_cast %add3A_1 : i32 to index
    %get3A_2 = memref.load %arg1[%get3A] : memref<8192xi32, #tpu.memory_space<smem>>
    %c0_i32 = arith.constant 0 : i32
    %c0_i32_3 = arith.constant 0 : i32
    %c0_i32_4 = arith.constant 0 : i32
    return %get3A_2, %c0_i32, %c0_i32_3 : i32, i32, i32
  }
  func.func @transform_20(%arg0: i32, %arg1: memref<8192xi32, #tpu.memory_space<smem>>, %arg2: memref<128xi32, #tpu.memory_space<smem>>, %arg3: memref<128xi32, #tpu.memory_space<smem>>, %arg4: memref<1xi32, #tpu.memory_space<smem>>) -> (i32, i32, i32) {
    %mul3A = arith.constant 64 : i32
    %mul3A_0 = arith.muli %mul3A, %arg0 : i32
    %add3A = arith.constant 20 : i32
    %add3A_1 = arith.addi %mul3A_0, %add3A : i32
    %get3A = arith.index_cast %add3A_1 : i32 to index
    %get3A_2 = memref.load %arg1[%get3A] : memref<8192xi32, #tpu.memory_space<smem>>
    %c0_i32 = arith.constant 0 : i32
    %c0_i32_3 = arith.constant 0 : i32
    %c0_i32_4 = arith.constant 0 : i32
    return %get3A_2, %c0_i32, %c0_i32_3 : i32, i32, i32
  }
  func.func @transform_21(%arg0: i32, %arg1: memref<8192xi32, #tpu.memory_space<smem>>, %arg2: memref<128xi32, #tpu.memory_space<smem>>, %arg3: memref<128xi32, #tpu.memory_space<smem>>, %arg4: memref<1xi32, #tpu.memory_space<smem>>) -> (i32, i32, i32) {
    %mul3A = arith.constant 64 : i32
    %mul3A_0 = arith.muli %mul3A, %arg0 : i32
    %add3A = arith.constant 21 : i32
    %add3A_1 = arith.addi %mul3A_0, %add3A : i32
    %get3A = arith.index_cast %add3A_1 : i32 to index
    %get3A_2 = memref.load %arg1[%get3A] : memref<8192xi32, #tpu.memory_space<smem>>
    %c0_i32 = arith.constant 0 : i32
    %c0_i32_3 = arith.constant 0 : i32
    %c0_i32_4 = arith.constant 0 : i32
    return %get3A_2, %c0_i32, %c0_i32_3 : i32, i32, i32
  }
  func.func @transform_22(%arg0: i32, %arg1: memref<8192xi32, #tpu.memory_space<smem>>, %arg2: memref<128xi32, #tpu.memory_space<smem>>, %arg3: memref<128xi32, #tpu.memory_space<smem>>, %arg4: memref<1xi32, #tpu.memory_space<smem>>) -> (i32, i32, i32) {
    %mul3A = arith.constant 64 : i32
    %mul3A_0 = arith.muli %mul3A, %arg0 : i32
    %add3A = arith.constant 22 : i32
    %add3A_1 = arith.addi %mul3A_0, %add3A : i32
    %get3A = arith.index_cast %add3A_1 : i32 to index
    %get3A_2 = memref.load %arg1[%get3A] : memref<8192xi32, #tpu.memory_space<smem>>
    %c0_i32 = arith.constant 0 : i32
    %c0_i32_3 = arith.constant 0 : i32
    %c0_i32_4 = arith.constant 0 : i32
    return %get3A_2, %c0_i32, %c0_i32_3 : i32, i32, i32
  }
  func.func @transform_23(%arg0: i32, %arg1: memref<8192xi32, #tpu.memory_space<smem>>, %arg2: memref<128xi32, #tpu.memory_space<smem>>, %arg3: memref<128xi32, #tpu.memory_space<smem>>, %arg4: memref<1xi32, #tpu.memory_space<smem>>) -> (i32, i32, i32) {
    %mul3A = arith.constant 64 : i32
    %mul3A_0 = arith.muli %mul3A, %arg0 : i32
    %add3A = arith.constant 23 : i32
    %add3A_1 = arith.addi %mul3A_0, %add3A : i32
    %get3A = arith.index_cast %add3A_1 : i32 to index
    %get3A_2 = memref.load %arg1[%get3A] : memref<8192xi32, #tpu.memory_space<smem>>
    %c0_i32 = arith.constant 0 : i32
    %c0_i32_3 = arith.constant 0 : i32
    %c0_i32_4 = arith.constant 0 : i32
    return %get3A_2, %c0_i32, %c0_i32_3 : i32, i32, i32
  }
  func.func @transform_24(%arg0: i32, %arg1: memref<8192xi32, #tpu.memory_space<smem>>, %arg2: memref<128xi32, #tpu.memory_space<smem>>, %arg3: memref<128xi32, #tpu.memory_space<smem>>, %arg4: memref<1xi32, #tpu.memory_space<smem>>) -> (i32, i32, i32) {
    %mul3A = arith.constant 64 : i32
    %mul3A_0 = arith.muli %mul3A, %arg0 : i32
    %add3A = arith.constant 24 : i32
    %add3A_1 = arith.addi %mul3A_0, %add3A : i32
    %get3A = arith.index_cast %add3A_1 : i32 to index
    %get3A_2 = memref.load %arg1[%get3A] : memref<8192xi32, #tpu.memory_space<smem>>
    %c0_i32 = arith.constant 0 : i32
    %c0_i32_3 = arith.constant 0 : i32
    %c0_i32_4 = arith.constant 0 : i32
    return %get3A_2, %c0_i32, %c0_i32_3 : i32, i32, i32
  }
  func.func @transform_25(%arg0: i32, %arg1: memref<8192xi32, #tpu.memory_space<smem>>, %arg2: memref<128xi32, #tpu.memory_space<smem>>, %arg3: memref<128xi32, #tpu.memory_space<smem>>, %arg4: memref<1xi32, #tpu.memory_space<smem>>) -> (i32, i32, i32) {
    %mul3A = arith.constant 64 : i32
    %mul3A_0 = arith.muli %mul3A, %arg0 : i32
    %add3A = arith.constant 25 : i32
    %add3A_1 = arith.addi %mul3A_0, %add3A : i32
    %get3A = arith.index_cast %add3A_1 : i32 to index
    %get3A_2 = memref.load %arg1[%get3A] : memref<8192xi32, #tpu.memory_space<smem>>
    %c0_i32 = arith.constant 0 : i32
    %c0_i32_3 = arith.constant 0 : i32
    %c0_i32_4 = arith.constant 0 : i32
    return %get3A_2, %c0_i32, %c0_i32_3 : i32, i32, i32
  }
  func.func @transform_26(%arg0: i32, %arg1: memref<8192xi32, #tpu.memory_space<smem>>, %arg2: memref<128xi32, #tpu.memory_space<smem>>, %arg3: memref<128xi32, #tpu.memory_space<smem>>, %arg4: memref<1xi32, #tpu.memory_space<smem>>) -> (i32, i32, i32) {
    %mul3A = arith.constant 64 : i32
    %mul3A_0 = arith.muli %mul3A, %arg0 : i32
    %add3A = arith.constant 26 : i32
    %add3A_1 = arith.addi %mul3A_0, %add3A : i32
    %get3A = arith.index_cast %add3A_1 : i32 to index
    %get3A_2 = memref.load %arg1[%get3A] : memref<8192xi32, #tpu.memory_space<smem>>
    %c0_i32 = arith.constant 0 : i32
    %c0_i32_3 = arith.constant 0 : i32
    %c0_i32_4 = arith.constant 0 : i32
    return %get3A_2, %c0_i32, %c0_i32_3 : i32, i32, i32
  }
  func.func @transform_27(%arg0: i32, %arg1: memref<8192xi32, #tpu.memory_space<smem>>, %arg2: memref<128xi32, #tpu.memory_space<smem>>, %arg3: memref<128xi32, #tpu.memory_space<smem>>, %arg4: memref<1xi32, #tpu.memory_space<smem>>) -> (i32, i32, i32) {
    %mul3A = arith.constant 64 : i32
    %mul3A_0 = arith.muli %mul3A, %arg0 : i32
    %add3A = arith.constant 27 : i32
    %add3A_1 = arith.addi %mul3A_0, %add3A : i32
    %get3A = arith.index_cast %add3A_1 : i32 to index
    %get3A_2 = memref.load %arg1[%get3A] : memref<8192xi32, #tpu.memory_space<smem>>
    %c0_i32 = arith.constant 0 : i32
    %c0_i32_3 = arith.constant 0 : i32
    %c0_i32_4 = arith.constant 0 : i32
    return %get3A_2, %c0_i32, %c0_i32_3 : i32, i32, i32
  }
  func.func @transform_28(%arg0: i32, %arg1: memref<8192xi32, #tpu.memory_space<smem>>, %arg2: memref<128xi32, #tpu.memory_space<smem>>, %arg3: memref<128xi32, #tpu.memory_space<smem>>, %arg4: memref<1xi32, #tpu.memory_space<smem>>) -> (i32, i32, i32) {
    %mul3A = arith.constant 64 : i32
    %mul3A_0 = arith.muli %mul3A, %arg0 : i32
    %add3A = arith.constant 28 : i32
    %add3A_1 = arith.addi %mul3A_0, %add3A : i32
    %get3A = arith.index_cast %add3A_1 : i32 to index
    %get3A_2 = memref.load %arg1[%get3A] : memref<8192xi32, #tpu.memory_space<smem>>
    %c0_i32 = arith.constant 0 : i32
    %c0_i32_3 = arith.constant 0 : i32
    %c0_i32_4 = arith.constant 0 : i32
    return %get3A_2, %c0_i32, %c0_i32_3 : i32, i32, i32
  }
  func.func @transform_29(%arg0: i32, %arg1: memref<8192xi32, #tpu.memory_space<smem>>, %arg2: memref<128xi32, #tpu.memory_space<smem>>, %arg3: memref<128xi32, #tpu.memory_space<smem>>, %arg4: memref<1xi32, #tpu.memory_space<smem>>) -> (i32, i32, i32) {
    %mul3A = arith.constant 64 : i32
    %mul3A_0 = arith.muli %mul3A, %arg0 : i32
    %add3A = arith.constant 29 : i32
    %add3A_1 = arith.addi %mul3A_0, %add3A : i32
    %get3A = arith.index_cast %add3A_1 : i32 to index
    %get3A_2 = memref.load %arg1[%get3A] : memref<8192xi32, #tpu.memory_space<smem>>
    %c0_i32 = arith.constant 0 : i32
    %c0_i32_3 = arith.constant 0 : i32
    %c0_i32_4 = arith.constant 0 : i32
    return %get3A_2, %c0_i32, %c0_i32_3 : i32, i32, i32
  }
  func.func @transform_30(%arg0: i32, %arg1: memref<8192xi32, #tpu.memory_space<smem>>, %arg2: memref<128xi32, #tpu.memory_space<smem>>, %arg3: memref<128xi32, #tpu.memory_space<smem>>, %arg4: memref<1xi32, #tpu.memory_space<smem>>) -> (i32, i32, i32) {
    %mul3A = arith.constant 64 : i32
    %mul3A_0 = arith.muli %mul3A, %arg0 : i32
    %add3A = arith.constant 30 : i32
    %add3A_1 = arith.addi %mul3A_0, %add3A : i32
    %get3A = arith.index_cast %add3A_1 : i32 to index
    %get3A_2 = memref.load %arg1[%get3A] : memref<8192xi32, #tpu.memory_space<smem>>
    %c0_i32 = arith.constant 0 : i32
    %c0_i32_3 = arith.constant 0 : i32
    %c0_i32_4 = arith.constant 0 : i32
    return %get3A_2, %c0_i32, %c0_i32_3 : i32, i32, i32
  }
  func.func @transform_31(%arg0: i32, %arg1: memref<8192xi32, #tpu.memory_space<smem>>, %arg2: memref<128xi32, #tpu.memory_space<smem>>, %arg3: memref<128xi32, #tpu.memory_space<smem>>, %arg4: memref<1xi32, #tpu.memory_space<smem>>) -> (i32, i32, i32) {
    %mul3A = arith.constant 64 : i32
    %mul3A_0 = arith.muli %mul3A, %arg0 : i32
    %add3A = arith.constant 31 : i32
    %add3A_1 = arith.addi %mul3A_0, %add3A : i32
    %get3A = arith.index_cast %add3A_1 : i32 to index
    %get3A_2 = memref.load %arg1[%get3A] : memref<8192xi32, #tpu.memory_space<smem>>
    %c0_i32 = arith.constant 0 : i32
    %c0_i32_3 = arith.constant 0 : i32
    %c0_i32_4 = arith.constant 0 : i32
    return %get3A_2, %c0_i32, %c0_i32_3 : i32, i32, i32
  }
  func.func @transform_32(%arg0: i32, %arg1: memref<8192xi32, #tpu.memory_space<smem>>, %arg2: memref<128xi32, #tpu.memory_space<smem>>, %arg3: memref<128xi32, #tpu.memory_space<smem>>, %arg4: memref<1xi32, #tpu.memory_space<smem>>) -> (i32, i32, i32) {
    %mul3A = arith.constant 64 : i32
    %mul3A_0 = arith.muli %mul3A, %arg0 : i32
    %add3A = arith.constant 32 : i32
    %add3A_1 = arith.addi %mul3A_0, %add3A : i32
    %get3A = arith.index_cast %add3A_1 : i32 to index
    %get3A_2 = memref.load %arg1[%get3A] : memref<8192xi32, #tpu.memory_space<smem>>
    %c0_i32 = arith.constant 0 : i32
    %c0_i32_3 = arith.constant 0 : i32
    %c0_i32_4 = arith.constant 0 : i32
    return %get3A_2, %c0_i32, %c0_i32_3 : i32, i32, i32
  }
  func.func @transform_33(%arg0: i32, %arg1: memref<8192xi32, #tpu.memory_space<smem>>, %arg2: memref<128xi32, #tpu.memory_space<smem>>, %arg3: memref<128xi32, #tpu.memory_space<smem>>, %arg4: memref<1xi32, #tpu.memory_space<smem>>) -> (i32, i32, i32) {
    %mul3A = arith.constant 64 : i32
    %mul3A_0 = arith.muli %mul3A, %arg0 : i32
    %add3A = arith.constant 33 : i32
    %add3A_1 = arith.addi %mul3A_0, %add3A : i32
    %get3A = arith.index_cast %add3A_1 : i32 to index
    %get3A_2 = memref.load %arg1[%get3A] : memref<8192xi32, #tpu.memory_space<smem>>
    %c0_i32 = arith.constant 0 : i32
    %c0_i32_3 = arith.constant 0 : i32
    %c0_i32_4 = arith.constant 0 : i32
    return %get3A_2, %c0_i32, %c0_i32_3 : i32, i32, i32
  }
  func.func @transform_34(%arg0: i32, %arg1: memref<8192xi32, #tpu.memory_space<smem>>, %arg2: memref<128xi32, #tpu.memory_space<smem>>, %arg3: memref<128xi32, #tpu.memory_space<smem>>, %arg4: memref<1xi32, #tpu.memory_space<smem>>) -> (i32, i32, i32) {
    %mul3A = arith.constant 64 : i32
    %mul3A_0 = arith.muli %mul3A, %arg0 : i32
    %add3A = arith.constant 34 : i32
    %add3A_1 = arith.addi %mul3A_0, %add3A : i32
    %get3A = arith.index_cast %add3A_1 : i32 to index
    %get3A_2 = memref.load %arg1[%get3A] : memref<8192xi32, #tpu.memory_space<smem>>
    %c0_i32 = arith.constant 0 : i32
    %c0_i32_3 = arith.constant 0 : i32
    %c0_i32_4 = arith.constant 0 : i32
    return %get3A_2, %c0_i32, %c0_i32_3 : i32, i32, i32
  }
  func.func @transform_35(%arg0: i32, %arg1: memref<8192xi32, #tpu.memory_space<smem>>, %arg2: memref<128xi32, #tpu.memory_space<smem>>, %arg3: memref<128xi32, #tpu.memory_space<smem>>, %arg4: memref<1xi32, #tpu.memory_space<smem>>) -> (i32, i32, i32) {
    %mul3A = arith.constant 64 : i32
    %mul3A_0 = arith.muli %mul3A, %arg0 : i32
    %add3A = arith.constant 35 : i32
    %add3A_1 = arith.addi %mul3A_0, %add3A : i32
    %get3A = arith.index_cast %add3A_1 : i32 to index
    %get3A_2 = memref.load %arg1[%get3A] : memref<8192xi32, #tpu.memory_space<smem>>
    %c0_i32 = arith.constant 0 : i32
    %c0_i32_3 = arith.constant 0 : i32
    %c0_i32_4 = arith.constant 0 : i32
    return %get3A_2, %c0_i32, %c0_i32_3 : i32, i32, i32
  }
  func.func @transform_36(%arg0: i32, %arg1: memref<8192xi32, #tpu.memory_space<smem>>, %arg2: memref<128xi32, #tpu.memory_space<smem>>, %arg3: memref<128xi32, #tpu.memory_space<smem>>, %arg4: memref<1xi32, #tpu.memory_space<smem>>) -> (i32, i32, i32) {
    %mul3A = arith.constant 64 : i32
    %mul3A_0 = arith.muli %mul3A, %arg0 : i32
    %add3A = arith.constant 36 : i32
    %add3A_1 = arith.addi %mul3A_0, %add3A : i32
    %get3A = arith.index_cast %add3A_1 : i32 to index
    %get3A_2 = memref.load %arg1[%get3A] : memref<8192xi32, #tpu.memory_space<smem>>
    %c0_i32 = arith.constant 0 : i32
    %c0_i32_3 = arith.constant 0 : i32
    %c0_i32_4 = arith.constant 0 : i32
    return %get3A_2, %c0_i32, %c0_i32_3 : i32, i32, i32
  }
  func.func @transform_37(%arg0: i32, %arg1: memref<8192xi32, #tpu.memory_space<smem>>, %arg2: memref<128xi32, #tpu.memory_space<smem>>, %arg3: memref<128xi32, #tpu.memory_space<smem>>, %arg4: memref<1xi32, #tpu.memory_space<smem>>) -> (i32, i32, i32) {
    %mul3A = arith.constant 64 : i32
    %mul3A_0 = arith.muli %mul3A, %arg0 : i32
    %add3A = arith.constant 37 : i32
    %add3A_1 = arith.addi %mul3A_0, %add3A : i32
    %get3A = arith.index_cast %add3A_1 : i32 to index
    %get3A_2 = memref.load %arg1[%get3A] : memref<8192xi32, #tpu.memory_space<smem>>
    %c0_i32 = arith.constant 0 : i32
    %c0_i32_3 = arith.constant 0 : i32
    %c0_i32_4 = arith.constant 0 : i32
    return %get3A_2, %c0_i32, %c0_i32_3 : i32, i32, i32
  }
  func.func @transform_38(%arg0: i32, %arg1: memref<8192xi32, #tpu.memory_space<smem>>, %arg2: memref<128xi32, #tpu.memory_space<smem>>, %arg3: memref<128xi32, #tpu.memory_space<smem>>, %arg4: memref<1xi32, #tpu.memory_space<smem>>) -> (i32, i32, i32) {
    %mul3A = arith.constant 64 : i32
    %mul3A_0 = arith.muli %mul3A, %arg0 : i32
    %add3A = arith.constant 38 : i32
    %add3A_1 = arith.addi %mul3A_0, %add3A : i32
    %get3A = arith.index_cast %add3A_1 : i32 to index
    %get3A_2 = memref.load %arg1[%get3A] : memref<8192xi32, #tpu.memory_space<smem>>
    %c0_i32 = arith.constant 0 : i32
    %c0_i32_3 = arith.constant 0 : i32
    %c0_i32_4 = arith.constant 0 : i32
    return %get3A_2, %c0_i32, %c0_i32_3 : i32, i32, i32
  }
  func.func @transform_39(%arg0: i32, %arg1: memref<8192xi32, #tpu.memory_space<smem>>, %arg2: memref<128xi32, #tpu.memory_space<smem>>, %arg3: memref<128xi32, #tpu.memory_space<smem>>, %arg4: memref<1xi32, #tpu.memory_space<smem>>) -> (i32, i32, i32) {
    %mul3A = arith.constant 64 : i32
    %mul3A_0 = arith.muli %mul3A, %arg0 : i32
    %add3A = arith.constant 39 : i32
    %add3A_1 = arith.addi %mul3A_0, %add3A : i32
    %get3A = arith.index_cast %add3A_1 : i32 to index
    %get3A_2 = memref.load %arg1[%get3A] : memref<8192xi32, #tpu.memory_space<smem>>
    %c0_i32 = arith.constant 0 : i32
    %c0_i32_3 = arith.constant 0 : i32
    %c0_i32_4 = arith.constant 0 : i32
    return %get3A_2, %c0_i32, %c0_i32_3 : i32, i32, i32
  }
  func.func @transform_40(%arg0: i32, %arg1: memref<8192xi32, #tpu.memory_space<smem>>, %arg2: memref<128xi32, #tpu.memory_space<smem>>, %arg3: memref<128xi32, #tpu.memory_space<smem>>, %arg4: memref<1xi32, #tpu.memory_space<smem>>) -> (i32, i32, i32) {
    %mul3A = arith.constant 64 : i32
    %mul3A_0 = arith.muli %mul3A, %arg0 : i32
    %add3A = arith.constant 40 : i32
    %add3A_1 = arith.addi %mul3A_0, %add3A : i32
    %get3A = arith.index_cast %add3A_1 : i32 to index
    %get3A_2 = memref.load %arg1[%get3A] : memref<8192xi32, #tpu.memory_space<smem>>
    %c0_i32 = arith.constant 0 : i32
    %c0_i32_3 = arith.constant 0 : i32
    %c0_i32_4 = arith.constant 0 : i32
    return %get3A_2, %c0_i32, %c0_i32_3 : i32, i32, i32
  }
  func.func @transform_41(%arg0: i32, %arg1: memref<8192xi32, #tpu.memory_space<smem>>, %arg2: memref<128xi32, #tpu.memory_space<smem>>, %arg3: memref<128xi32, #tpu.memory_space<smem>>, %arg4: memref<1xi32, #tpu.memory_space<smem>>) -> (i32, i32, i32) {
    %mul3A = arith.constant 64 : i32
    %mul3A_0 = arith.muli %mul3A, %arg0 : i32
    %add3A = arith.constant 41 : i32
    %add3A_1 = arith.addi %mul3A_0, %add3A : i32
    %get3A = arith.index_cast %add3A_1 : i32 to index
    %get3A_2 = memref.load %arg1[%get3A] : memref<8192xi32, #tpu.memory_space<smem>>
    %c0_i32 = arith.constant 0 : i32
    %c0_i32_3 = arith.constant 0 : i32
    %c0_i32_4 = arith.constant 0 : i32
    return %get3A_2, %c0_i32, %c0_i32_3 : i32, i32, i32
  }
  func.func @transform_42(%arg0: i32, %arg1: memref<8192xi32, #tpu.memory_space<smem>>, %arg2: memref<128xi32, #tpu.memory_space<smem>>, %arg3: memref<128xi32, #tpu.memory_space<smem>>, %arg4: memref<1xi32, #tpu.memory_space<smem>>) -> (i32, i32, i32) {
    %mul3A = arith.constant 64 : i32
    %mul3A_0 = arith.muli %mul3A, %arg0 : i32
    %add3A = arith.constant 42 : i32
    %add3A_1 = arith.addi %mul3A_0, %add3A : i32
    %get3A = arith.index_cast %add3A_1 : i32 to index
    %get3A_2 = memref.load %arg1[%get3A] : memref<8192xi32, #tpu.memory_space<smem>>
    %c0_i32 = arith.constant 0 : i32
    %c0_i32_3 = arith.constant 0 : i32
    %c0_i32_4 = arith.constant 0 : i32
    return %get3A_2, %c0_i32, %c0_i32_3 : i32, i32, i32
  }
  func.func @transform_43(%arg0: i32, %arg1: memref<8192xi32, #tpu.memory_space<smem>>, %arg2: memref<128xi32, #tpu.memory_space<smem>>, %arg3: memref<128xi32, #tpu.memory_space<smem>>, %arg4: memref<1xi32, #tpu.memory_space<smem>>) -> (i32, i32, i32) {
    %mul3A = arith.constant 64 : i32
    %mul3A_0 = arith.muli %mul3A, %arg0 : i32
    %add3A = arith.constant 43 : i32
    %add3A_1 = arith.addi %mul3A_0, %add3A : i32
    %get3A = arith.index_cast %add3A_1 : i32 to index
    %get3A_2 = memref.load %arg1[%get3A] : memref<8192xi32, #tpu.memory_space<smem>>
    %c0_i32 = arith.constant 0 : i32
    %c0_i32_3 = arith.constant 0 : i32
    %c0_i32_4 = arith.constant 0 : i32
    return %get3A_2, %c0_i32, %c0_i32_3 : i32, i32, i32
  }
  func.func @transform_44(%arg0: i32, %arg1: memref<8192xi32, #tpu.memory_space<smem>>, %arg2: memref<128xi32, #tpu.memory_space<smem>>, %arg3: memref<128xi32, #tpu.memory_space<smem>>, %arg4: memref<1xi32, #tpu.memory_space<smem>>) -> (i32, i32, i32) {
    %mul3A = arith.constant 64 : i32
    %mul3A_0 = arith.muli %mul3A, %arg0 : i32
    %add3A = arith.constant 44 : i32
    %add3A_1 = arith.addi %mul3A_0, %add3A : i32
    %get3A = arith.index_cast %add3A_1 : i32 to index
    %get3A_2 = memref.load %arg1[%get3A] : memref<8192xi32, #tpu.memory_space<smem>>
    %c0_i32 = arith.constant 0 : i32
    %c0_i32_3 = arith.constant 0 : i32
    %c0_i32_4 = arith.constant 0 : i32
    return %get3A_2, %c0_i32, %c0_i32_3 : i32, i32, i32
  }
  func.func @transform_45(%arg0: i32, %arg1: memref<8192xi32, #tpu.memory_space<smem>>, %arg2: memref<128xi32, #tpu.memory_space<smem>>, %arg3: memref<128xi32, #tpu.memory_space<smem>>, %arg4: memref<1xi32, #tpu.memory_space<smem>>) -> (i32, i32, i32) {
    %mul3A = arith.constant 64 : i32
    %mul3A_0 = arith.muli %mul3A, %arg0 : i32
    %add3A = arith.constant 45 : i32
    %add3A_1 = arith.addi %mul3A_0, %add3A : i32
    %get3A = arith.index_cast %add3A_1 : i32 to index
    %get3A_2 = memref.load %arg1[%get3A] : memref<8192xi32, #tpu.memory_space<smem>>
    %c0_i32 = arith.constant 0 : i32
    %c0_i32_3 = arith.constant 0 : i32
    %c0_i32_4 = arith.constant 0 : i32
    return %get3A_2, %c0_i32, %c0_i32_3 : i32, i32, i32
  }
  func.func @transform_46(%arg0: i32, %arg1: memref<8192xi32, #tpu.memory_space<smem>>, %arg2: memref<128xi32, #tpu.memory_space<smem>>, %arg3: memref<128xi32, #tpu.memory_space<smem>>, %arg4: memref<1xi32, #tpu.memory_space<smem>>) -> (i32, i32, i32) {
    %mul3A = arith.constant 64 : i32
    %mul3A_0 = arith.muli %mul3A, %arg0 : i32
    %add3A = arith.constant 46 : i32
    %add3A_1 = arith.addi %mul3A_0, %add3A : i32
    %get3A = arith.index_cast %add3A_1 : i32 to index
    %get3A_2 = memref.load %arg1[%get3A] : memref<8192xi32, #tpu.memory_space<smem>>
    %c0_i32 = arith.constant 0 : i32
    %c0_i32_3 = arith.constant 0 : i32
    %c0_i32_4 = arith.constant 0 : i32
    return %get3A_2, %c0_i32, %c0_i32_3 : i32, i32, i32
  }
  func.func @transform_47(%arg0: i32, %arg1: memref<8192xi32, #tpu.memory_space<smem>>, %arg2: memref<128xi32, #tpu.memory_space<smem>>, %arg3: memref<128xi32, #tpu.memory_space<smem>>, %arg4: memref<1xi32, #tpu.memory_space<smem>>) -> (i32, i32, i32) {
    %mul3A = arith.constant 64 : i32
    %mul3A_0 = arith.muli %mul3A, %arg0 : i32
    %add3A = arith.constant 47 : i32
    %add3A_1 = arith.addi %mul3A_0, %add3A : i32
    %get3A = arith.index_cast %add3A_1 : i32 to index
    %get3A_2 = memref.load %arg1[%get3A] : memref<8192xi32, #tpu.memory_space<smem>>
    %c0_i32 = arith.constant 0 : i32
    %c0_i32_3 = arith.constant 0 : i32
    %c0_i32_4 = arith.constant 0 : i32
    return %get3A_2, %c0_i32, %c0_i32_3 : i32, i32, i32
  }
  func.func @transform_48(%arg0: i32, %arg1: memref<8192xi32, #tpu.memory_space<smem>>, %arg2: memref<128xi32, #tpu.memory_space<smem>>, %arg3: memref<128xi32, #tpu.memory_space<smem>>, %arg4: memref<1xi32, #tpu.memory_space<smem>>) -> (i32, i32, i32) {
    %mul3A = arith.constant 64 : i32
    %mul3A_0 = arith.muli %mul3A, %arg0 : i32
    %add3A = arith.constant 48 : i32
    %add3A_1 = arith.addi %mul3A_0, %add3A : i32
    %get3A = arith.index_cast %add3A_1 : i32 to index
    %get3A_2 = memref.load %arg1[%get3A] : memref<8192xi32, #tpu.memory_space<smem>>
    %c0_i32 = arith.constant 0 : i32
    %c0_i32_3 = arith.constant 0 : i32
    %c0_i32_4 = arith.constant 0 : i32
    return %get3A_2, %c0_i32, %c0_i32_3 : i32, i32, i32
  }
  func.func @transform_49(%arg0: i32, %arg1: memref<8192xi32, #tpu.memory_space<smem>>, %arg2: memref<128xi32, #tpu.memory_space<smem>>, %arg3: memref<128xi32, #tpu.memory_space<smem>>, %arg4: memref<1xi32, #tpu.memory_space<smem>>) -> (i32, i32, i32) {
    %mul3A = arith.constant 64 : i32
    %mul3A_0 = arith.muli %mul3A, %arg0 : i32
    %add3A = arith.constant 49 : i32
    %add3A_1 = arith.addi %mul3A_0, %add3A : i32
    %get3A = arith.index_cast %add3A_1 : i32 to index
    %get3A_2 = memref.load %arg1[%get3A] : memref<8192xi32, #tpu.memory_space<smem>>
    %c0_i32 = arith.constant 0 : i32
    %c0_i32_3 = arith.constant 0 : i32
    %c0_i32_4 = arith.constant 0 : i32
    return %get3A_2, %c0_i32, %c0_i32_3 : i32, i32, i32
  }
  func.func @transform_50(%arg0: i32, %arg1: memref<8192xi32, #tpu.memory_space<smem>>, %arg2: memref<128xi32, #tpu.memory_space<smem>>, %arg3: memref<128xi32, #tpu.memory_space<smem>>, %arg4: memref<1xi32, #tpu.memory_space<smem>>) -> (i32, i32, i32) {
    %mul3A = arith.constant 64 : i32
    %mul3A_0 = arith.muli %mul3A, %arg0 : i32
    %add3A = arith.constant 50 : i32
    %add3A_1 = arith.addi %mul3A_0, %add3A : i32
    %get3A = arith.index_cast %add3A_1 : i32 to index
    %get3A_2 = memref.load %arg1[%get3A] : memref<8192xi32, #tpu.memory_space<smem>>
    %c0_i32 = arith.constant 0 : i32
    %c0_i32_3 = arith.constant 0 : i32
    %c0_i32_4 = arith.constant 0 : i32
    return %get3A_2, %c0_i32, %c0_i32_3 : i32, i32, i32
  }
  func.func @transform_51(%arg0: i32, %arg1: memref<8192xi32, #tpu.memory_space<smem>>, %arg2: memref<128xi32, #tpu.memory_space<smem>>, %arg3: memref<128xi32, #tpu.memory_space<smem>>, %arg4: memref<1xi32, #tpu.memory_space<smem>>) -> (i32, i32, i32) {
    %mul3A = arith.constant 64 : i32
    %mul3A_0 = arith.muli %mul3A, %arg0 : i32
    %add3A = arith.constant 51 : i32
    %add3A_1 = arith.addi %mul3A_0, %add3A : i32
    %get3A = arith.index_cast %add3A_1 : i32 to index
    %get3A_2 = memref.load %arg1[%get3A] : memref<8192xi32, #tpu.memory_space<smem>>
    %c0_i32 = arith.constant 0 : i32
    %c0_i32_3 = arith.constant 0 : i32
    %c0_i32_4 = arith.constant 0 : i32
    return %get3A_2, %c0_i32, %c0_i32_3 : i32, i32, i32
  }
  func.func @transform_52(%arg0: i32, %arg1: memref<8192xi32, #tpu.memory_space<smem>>, %arg2: memref<128xi32, #tpu.memory_space<smem>>, %arg3: memref<128xi32, #tpu.memory_space<smem>>, %arg4: memref<1xi32, #tpu.memory_space<smem>>) -> (i32, i32, i32) {
    %mul3A = arith.constant 64 : i32
    %mul3A_0 = arith.muli %mul3A, %arg0 : i32
    %add3A = arith.constant 52 : i32
    %add3A_1 = arith.addi %mul3A_0, %add3A : i32
    %get3A = arith.index_cast %add3A_1 : i32 to index
    %get3A_2 = memref.load %arg1[%get3A] : memref<8192xi32, #tpu.memory_space<smem>>
    %c0_i32 = arith.constant 0 : i32
    %c0_i32_3 = arith.constant 0 : i32
    %c0_i32_4 = arith.constant 0 : i32
    return %get3A_2, %c0_i32, %c0_i32_3 : i32, i32, i32
  }
  func.func @transform_53(%arg0: i32, %arg1: memref<8192xi32, #tpu.memory_space<smem>>, %arg2: memref<128xi32, #tpu.memory_space<smem>>, %arg3: memref<128xi32, #tpu.memory_space<smem>>, %arg4: memref<1xi32, #tpu.memory_space<smem>>) -> (i32, i32, i32) {
    %mul3A = arith.constant 64 : i32
    %mul3A_0 = arith.muli %mul3A, %arg0 : i32
    %add3A = arith.constant 53 : i32
    %add3A_1 = arith.addi %mul3A_0, %add3A : i32
    %get3A = arith.index_cast %add3A_1 : i32 to index
    %get3A_2 = memref.load %arg1[%get3A] : memref<8192xi32, #tpu.memory_space<smem>>
    %c0_i32 = arith.constant 0 : i32
    %c0_i32_3 = arith.constant 0 : i32
    %c0_i32_4 = arith.constant 0 : i32
    return %get3A_2, %c0_i32, %c0_i32_3 : i32, i32, i32
  }
  func.func @transform_54(%arg0: i32, %arg1: memref<8192xi32, #tpu.memory_space<smem>>, %arg2: memref<128xi32, #tpu.memory_space<smem>>, %arg3: memref<128xi32, #tpu.memory_space<smem>>, %arg4: memref<1xi32, #tpu.memory_space<smem>>) -> (i32, i32, i32) {
    %mul3A = arith.constant 64 : i32
    %mul3A_0 = arith.muli %mul3A, %arg0 : i32
    %add3A = arith.constant 54 : i32
    %add3A_1 = arith.addi %mul3A_0, %add3A : i32
    %get3A = arith.index_cast %add3A_1 : i32 to index
    %get3A_2 = memref.load %arg1[%get3A] : memref<8192xi32, #tpu.memory_space<smem>>
    %c0_i32 = arith.constant 0 : i32
    %c0_i32_3 = arith.constant 0 : i32
    %c0_i32_4 = arith.constant 0 : i32
    return %get3A_2, %c0_i32, %c0_i32_3 : i32, i32, i32
  }
  func.func @transform_55(%arg0: i32, %arg1: memref<8192xi32, #tpu.memory_space<smem>>, %arg2: memref<128xi32, #tpu.memory_space<smem>>, %arg3: memref<128xi32, #tpu.memory_space<smem>>, %arg4: memref<1xi32, #tpu.memory_space<smem>>) -> (i32, i32, i32) {
    %mul3A = arith.constant 64 : i32
    %mul3A_0 = arith.muli %mul3A, %arg0 : i32
    %add3A = arith.constant 55 : i32
    %add3A_1 = arith.addi %mul3A_0, %add3A : i32
    %get3A = arith.index_cast %add3A_1 : i32 to index
    %get3A_2 = memref.load %arg1[%get3A] : memref<8192xi32, #tpu.memory_space<smem>>
    %c0_i32 = arith.constant 0 : i32
    %c0_i32_3 = arith.constant 0 : i32
    %c0_i32_4 = arith.constant 0 : i32
    return %get3A_2, %c0_i32, %c0_i32_3 : i32, i32, i32
  }
  func.func @transform_56(%arg0: i32, %arg1: memref<8192xi32, #tpu.memory_space<smem>>, %arg2: memref<128xi32, #tpu.memory_space<smem>>, %arg3: memref<128xi32, #tpu.memory_space<smem>>, %arg4: memref<1xi32, #tpu.memory_space<smem>>) -> (i32, i32, i32) {
    %mul3A = arith.constant 64 : i32
    %mul3A_0 = arith.muli %mul3A, %arg0 : i32
    %add3A = arith.constant 56 : i32
    %add3A_1 = arith.addi %mul3A_0, %add3A : i32
    %get3A = arith.index_cast %add3A_1 : i32 to index
    %get3A_2 = memref.load %arg1[%get3A] : memref<8192xi32, #tpu.memory_space<smem>>
    %c0_i32 = arith.constant 0 : i32
    %c0_i32_3 = arith.constant 0 : i32
    %c0_i32_4 = arith.constant 0 : i32
    return %get3A_2, %c0_i32, %c0_i32_3 : i32, i32, i32
  }
  func.func @transform_57(%arg0: i32, %arg1: memref<8192xi32, #tpu.memory_space<smem>>, %arg2: memref<128xi32, #tpu.memory_space<smem>>, %arg3: memref<128xi32, #tpu.memory_space<smem>>, %arg4: memref<1xi32, #tpu.memory_space<smem>>) -> (i32, i32, i32) {
    %mul3A = arith.constant 64 : i32
    %mul3A_0 = arith.muli %mul3A, %arg0 : i32
    %add3A = arith.constant 57 : i32
    %add3A_1 = arith.addi %mul3A_0, %add3A : i32
    %get3A = arith.index_cast %add3A_1 : i32 to index
    %get3A_2 = memref.load %arg1[%get3A] : memref<8192xi32, #tpu.memory_space<smem>>
    %c0_i32 = arith.constant 0 : i32
    %c0_i32_3 = arith.constant 0 : i32
    %c0_i32_4 = arith.constant 0 : i32
    return %get3A_2, %c0_i32, %c0_i32_3 : i32, i32, i32
  }
  func.func @transform_58(%arg0: i32, %arg1: memref<8192xi32, #tpu.memory_space<smem>>, %arg2: memref<128xi32, #tpu.memory_space<smem>>, %arg3: memref<128xi32, #tpu.memory_space<smem>>, %arg4: memref<1xi32, #tpu.memory_space<smem>>) -> (i32, i32, i32) {
    %mul3A = arith.constant 64 : i32
    %mul3A_0 = arith.muli %mul3A, %arg0 : i32
    %add3A = arith.constant 58 : i32
    %add3A_1 = arith.addi %mul3A_0, %add3A : i32
    %get3A = arith.index_cast %add3A_1 : i32 to index
    %get3A_2 = memref.load %arg1[%get3A] : memref<8192xi32, #tpu.memory_space<smem>>
    %c0_i32 = arith.constant 0 : i32
    %c0_i32_3 = arith.constant 0 : i32
    %c0_i32_4 = arith.constant 0 : i32
    return %get3A_2, %c0_i32, %c0_i32_3 : i32, i32, i32
  }
  func.func @transform_59(%arg0: i32, %arg1: memref<8192xi32, #tpu.memory_space<smem>>, %arg2: memref<128xi32, #tpu.memory_space<smem>>, %arg3: memref<128xi32, #tpu.memory_space<smem>>, %arg4: memref<1xi32, #tpu.memory_space<smem>>) -> (i32, i32, i32) {
    %mul3A = arith.constant 64 : i32
    %mul3A_0 = arith.muli %mul3A, %arg0 : i32
    %add3A = arith.constant 59 : i32
    %add3A_1 = arith.addi %mul3A_0, %add3A : i32
    %get3A = arith.index_cast %add3A_1 : i32 to index
    %get3A_2 = memref.load %arg1[%get3A] : memref<8192xi32, #tpu.memory_space<smem>>
    %c0_i32 = arith.constant 0 : i32
    %c0_i32_3 = arith.constant 0 : i32
    %c0_i32_4 = arith.constant 0 : i32
    return %get3A_2, %c0_i32, %c0_i32_3 : i32, i32, i32
  }
  func.func @transform_60(%arg0: i32, %arg1: memref<8192xi32, #tpu.memory_space<smem>>, %arg2: memref<128xi32, #tpu.memory_space<smem>>, %arg3: memref<128xi32, #tpu.memory_space<smem>>, %arg4: memref<1xi32, #tpu.memory_space<smem>>) -> (i32, i32, i32) {
    %mul3A = arith.constant 64 : i32
    %mul3A_0 = arith.muli %mul3A, %arg0 : i32
    %add3A = arith.constant 60 : i32
    %add3A_1 = arith.addi %mul3A_0, %add3A : i32
    %get3A = arith.index_cast %add3A_1 : i32 to index
    %get3A_2 = memref.load %arg1[%get3A] : memref<8192xi32, #tpu.memory_space<smem>>
    %c0_i32 = arith.constant 0 : i32
    %c0_i32_3 = arith.constant 0 : i32
    %c0_i32_4 = arith.constant 0 : i32
    return %get3A_2, %c0_i32, %c0_i32_3 : i32, i32, i32
  }
  func.func @transform_61(%arg0: i32, %arg1: memref<8192xi32, #tpu.memory_space<smem>>, %arg2: memref<128xi32, #tpu.memory_space<smem>>, %arg3: memref<128xi32, #tpu.memory_space<smem>>, %arg4: memref<1xi32, #tpu.memory_space<smem>>) -> (i32, i32, i32) {
    %mul3A = arith.constant 64 : i32
    %mul3A_0 = arith.muli %mul3A, %arg0 : i32
    %add3A = arith.constant 61 : i32
    %add3A_1 = arith.addi %mul3A_0, %add3A : i32
    %get3A = arith.index_cast %add3A_1 : i32 to index
    %get3A_2 = memref.load %arg1[%get3A] : memref<8192xi32, #tpu.memory_space<smem>>
    %c0_i32 = arith.constant 0 : i32
    %c0_i32_3 = arith.constant 0 : i32
    %c0_i32_4 = arith.constant 0 : i32
    return %get3A_2, %c0_i32, %c0_i32_3 : i32, i32, i32
  }
  func.func @transform_62(%arg0: i32, %arg1: memref<8192xi32, #tpu.memory_space<smem>>, %arg2: memref<128xi32, #tpu.memory_space<smem>>, %arg3: memref<128xi32, #tpu.memory_space<smem>>, %arg4: memref<1xi32, #tpu.memory_space<smem>>) -> (i32, i32, i32) {
    %mul3A = arith.constant 64 : i32
    %mul3A_0 = arith.muli %mul3A, %arg0 : i32
    %add3A = arith.constant 62 : i32
    %add3A_1 = arith.addi %mul3A_0, %add3A : i32
    %get3A = arith.index_cast %add3A_1 : i32 to index
    %get3A_2 = memref.load %arg1[%get3A] : memref<8192xi32, #tpu.memory_space<smem>>
    %c0_i32 = arith.constant 0 : i32
    %c0_i32_3 = arith.constant 0 : i32
    %c0_i32_4 = arith.constant 0 : i32
    return %get3A_2, %c0_i32, %c0_i32_3 : i32, i32, i32
  }
  func.func @transform_63(%arg0: i32, %arg1: memref<8192xi32, #tpu.memory_space<smem>>, %arg2: memref<128xi32, #tpu.memory_space<smem>>, %arg3: memref<128xi32, #tpu.memory_space<smem>>, %arg4: memref<1xi32, #tpu.memory_space<smem>>) -> (i32, i32, i32) {
    %mul3A = arith.constant 64 : i32
    %mul3A_0 = arith.muli %mul3A, %arg0 : i32
    %add3A = arith.constant 63 : i32
    %add3A_1 = arith.addi %mul3A_0, %add3A : i32
    %get3A = arith.index_cast %add3A_1 : i32 to index
    %get3A_2 = memref.load %arg1[%get3A] : memref<8192xi32, #tpu.memory_space<smem>>
    %c0_i32 = arith.constant 0 : i32
    %c0_i32_3 = arith.constant 0 : i32
    %c0_i32_4 = arith.constant 0 : i32
    return %get3A_2, %c0_i32, %c0_i32_3 : i32, i32, i32
  }
  func.func @transform_64(%arg0: i32, %arg1: memref<8192xi32, #tpu.memory_space<smem>>, %arg2: memref<128xi32, #tpu.memory_space<smem>>, %arg3: memref<128xi32, #tpu.memory_space<smem>>, %arg4: memref<1xi32, #tpu.memory_space<smem>>) -> (i32, i32, i32) {
    %get3A = arith.index_cast %arg0 : i32 to index
    %get3A_0 = memref.load %arg2[%get3A] : memref<128xi32, #tpu.memory_space<smem>>
    %c0_i32 = arith.constant 0 : i32
    %c0_i32_1 = arith.constant 0 : i32
    %c0_i32_2 = arith.constant 0 : i32
    return %get3A_0, %c0_i32, %c0_i32_1 : i32, i32, i32
  }
  func.func @transform_65(%arg0: i32, %arg1: memref<8192xi32, #tpu.memory_space<smem>>, %arg2: memref<128xi32, #tpu.memory_space<smem>>, %arg3: memref<128xi32, #tpu.memory_space<smem>>, %arg4: memref<1xi32, #tpu.memory_space<smem>>) -> (i32, i32, i32) {
    %get3A = arith.index_cast %arg0 : i32 to index
    %get3A_0 = memref.load %arg3[%get3A] : memref<128xi32, #tpu.memory_space<smem>>
    %c0_i32 = arith.constant 0 : i32
    %c0_i32_1 = arith.constant 0 : i32
    %c0_i32_2 = arith.constant 0 : i32
    return %get3A_0, %c0_i32, %c0_i32_1 : i32, i32, i32
  }
}

</mosaic_0001>

<sc_bundles>
// kernel: kernel.5.cloned.1.call-start
scs
__scs_entry_jumppad:
0x0: {  	(pc) =	sbr.rel $0x88, $3  }
0x1: {  	(tag) =	ssettag $0x0;
	lr =	simm.s32 $0x1  }
0x2: {  	[smem:$0x3F9E] =	sst lr;
	_ =	strace $0xD0000000  }
0x3: {  	_ = 	snop  }
0x4: {  	_ = 	snop  }
0x5: {  	_ = 	snop  }
0x6: {  	_ = 	snop  }
0x7: {  	_ = 	snop  }
__scs_overlays_trampoline_lowered:
0x8: {  	[smem:$0x3FAD] =	sst s0  }
0x9: {  	[smem:$0x3FAE] =	sst s1  }
0xa: {  	[smem:$0x3FAF] =	sst s2  }
0xb: {  	[smem:$0x3FB0] =	sst s3  }
0xc: {  	[smem:$0x3FB1] =	sst s4  }
0xd: {  	[smem:$0x3FB2] =	sst s5  }
0xe: {  	[smem:$0x3FB3] =	sst s6  }
0xf: {  	[smem:$0x3FB4] =	sst s7  }
0x10: {  	[smem:$0x3FB5] =	sst s8  }
0x11: {  	[smem:$0x3FB6] =	sst s9;
	s0 =	simm.s32 @!p0 $0x0  }
0x12: {  	s1 =	sld [smem:$0x3F9C];
	s0 =	simm.s32 @p0 $0x1  }
0x13: {  	[smem:$0x3FB7] =	sst s0;
	s0 =	simm.s32 @!p1 $0x0  }
0x14: {  	s2 =	sld [smem:$0x3F9B];
	s0 =	simm.s32 @p1 $0x1  }
0x15: {  	[smem:$0x3FB8] =	sst s0;
	s0 =	simm.s32 @!p2 $0x0  }
0x16: {  	s3 =	sld [smem:$0x3FDB];
	s0 =	simm.s32 @p2 $0x1  }
0x17: {  	s4 =	simm.s32 $0x1BF5;
	[smem:$0x3FBA] =	sst s0  }
0x18: {  	s0 =	sld [smem:$0x3F9D];
	_ =	swait.ge [sflag:s4], $0x0  }
0x19: {  	s7 =	sld [smem:$0x3F9E]  }
0x1a: {  	s8 =	sadd.s32 $0xFFFFE003, lr  }
0x1b: {  	s9 =	sadd.s32 $0xFFFFFEF7, lr;
	s5 =	simm.s32 $0xFFFFFFFF;
	p2 =	slt.u32 s8, $0xFFFFF086  }
0x1c: {  	p1 =	slt.u32 s9, $0xF7A;
	s5 =	simm.s32 @!p2 $0x0  }
0x1d: {  	s5 =	simm.s32 @p1 $0x1;
	p0 =	seq.s32 s7, s2  }
0x1e: {  	s7 =	smul.u32 @!p0 $0xF7A, s2;
	p2 =	seq.s32 @!p0 s5, $0x0  }
0x1f: {  	s9 =	smul.u32 $0xF7A, s1;
	s8 =	simm.s32 @!p0 $0x1BF5;
	p2 =	por !p2, p0  }
0x20: {  	[sflag:s8] =	ssyncset.s32 @!p0 $0xFFFFF086;
	s6 =	sadd.s32 @!p0 s3, s7;
	s7 =	simm.s32 @!p0 $0x108  }
0x21: {  	s3 =	sadd.s32 s3, s9;
	s6 =	sadd.s32 @!p0 $0x88, s6;
	s7 =	simm.s32 @p2 $0x1082  }
0x22: {  	[simem:s7], [sflag:s8] =	dma.local @!p0 [hbm:s6], $0xF7A  }
0x23: {  	s9 =	sor.u32 $0xD0000000, s2;
	s6 =	simm.s32 $0x108;
	_ =	swait.ge @!p0 [sflag:s8], $0x0  }
0x24: {  	s3 =	sadd.s32 $0x88, s3;
	s6 =	simm.s32 @!p1 $0x1082;
	[sflag:s4] =	ssyncset.s32 $0xFFFFF086  }
0x25: {  	[simem:s6], [sflag:s4] =	dma.local [hbm:s3], $0xF7A  }
0x26: {  	[smem:$0x3F9E] =	sst s1;
	(tag) =	ssettag s2;
	_ =	strace s9  }
0x27: {  	s1 =	sld [smem:$0x3FAE]  }
0x28: {  	s2 =	sld [smem:$0x3FAF]  }
0x29: {  	s4 =	sld [smem:$0x3FB1]  }
0x2a: {  	p0 =	seq.s32 s5, $0x0;
	s5 =	sld [smem:$0x3FB2]  }
0x2b: {  	s6 =	sld [smem:$0x3FB3]  }
0x2c: {  	s7 =	sld [smem:$0x3FB4]  }
0x2d: {  	s3 =	simm.s32 $0x108;
	s8 =	sld [smem:$0x3FB5]  }
0x2e: {  	s3 =	simm.s32 @!p0 $0x1082;
	s9 =	sld [smem:$0x3FB6]  }
0x2f: {  	lr =	sadd.s32 s0, s3;
	s0 =	sld [smem:$0x3FAD]  }
0x30: {  	s3 =	sld [smem:$0x3FB0]  }
0x31: {  	[smem:$0x3FB9] =	sst s10  }
0x32: {  	s10 =	sld [smem:$0x3FB7];
	_ =	sdelay $0x3  }
0x33: {  	p0 =	seq.s32 s10, $0x1;
	s10 =	sld [smem:$0x3FB9];
	_ =	sdelay $0x3  }
0x34: {  	[smem:$0x3FB9] =	sst s10  }
0x35: {  	s10 =	sld [smem:$0x3FB8];
	_ =	sdelay $0x3  }
0x36: {  	p1 =	seq.s32 s10, $0x1;
	s10 =	sld [smem:$0x3FB9];
	_ =	sdelay $0x3  }
0x37: {  	[smem:$0x3FB9] =	sst s10  }
0x38: {  	s10 =	sld [smem:$0x3FBA]  }
0x39: {  	_ = 	snop;
	(pc) =	sbr.ind lr, $3  }
0x3a: {  	_ = 	snop  }
0x3b: {  	_ = 	snop  }
0x3c: {  	p2 =	seq.s32 s10, $0x1;
	s10 =	sld [smem:$0x3FB9]  }
0x3d: {  	_ =	shalt  }
0x3e: {  	_ =	shalt  }
0x3f: {  	_ =	shalt  }
0x40: {  	_ =	shalt  }
0x41: {  	_ =	shalt  }
0x42: {  	_ =	shalt  }
0x43: {  	_ =	shalt  }
0x44: {  	_ =	shalt  }
0x45: {  	_ =	shalt  }
0x46: {  	_ =	shalt  }
0x47: {  	_ =	shalt  }
0x48: {  	_ =	shalt  }
0x49: {  	_ =	shalt  }
0x4a: {  	_ =	shalt  }
0x4b: {  	_ =	shalt  }
0x4c: {  	_ =	shalt  }
0x4d: {  	_ =	shalt  }
0x4e: {  	_ =	shalt  }
0x4f: {  	_ =	shalt  }
0x50: {  	_ =	shalt  }
0x51: {  	_ =	shalt  }
0x52: {  	_ =	shalt  }
0x53: {  	_ =	shalt  }
0x54: {  	_ =	shalt  }
0x55: {  	_ =	shalt  }
0x56: {  	_ =	shalt  }
0x57: {  	_ =	shalt  }
0x58: {  	_ =	shalt  }
0x59: {  	_ =	shalt  }
0x5a: {  	_ =	shalt  }
0x5b: {  	_ =	shalt  }
0x5c: {  	_ =	shalt  }
0x5d: {  	_ =	shalt  }
0x5e: {  	_ =	shalt  }
0x5f: {  	_ =	shalt  }
0x60: {  	_ =	shalt  }
0x61: {  	_ =	shalt  }
0x62: {  	_ =	shalt  }
0x63: {  	_ =	shalt  }
0x64: {  	_ =	shalt  }
0x65: {  	_ =	shalt  }
0x66: {  	_ =	shalt  }
0x67: {  	_ =	shalt  }
0x68: {  	_ =	shalt  }
0x69: {  	_ =	shalt  }
0x6a: {  	_ =	shalt  }
0x6b: {  	_ =	shalt  }
0x6c: {  	_ =	shalt  }
0x6d: {  	_ =	shalt  }
0x6e: {  	_ =	shalt  }
0x6f: {  	_ =	shalt  }
0x70: {  	_ =	shalt  }
0x71: {  	_ =	shalt  }
0x72: {  	_ =	shalt  }
0x73: {  	_ =	shalt  }
0x74: {  	_ =	shalt  }
0x75: {  	_ =	shalt  }
0x76: {  	_ =	shalt  }
0x77: {  	_ =	shalt  }
0x78: {  	_ =	shalt  }
0x79: {  	_ =	shalt  }
0x7a: {  	_ =	shalt  }
0x7b: {  	_ =	shalt  }
0x7c: {  	_ =	shalt  }
0x7d: {  	_ =	shalt  }
0x7e: {  	_ =	shalt  }
0x7f: {  	_ =	shalt  }
0x80: {  	_ =	shalt  }
0x81: {  	_ =	shalt  }
0x82: {  	_ =	shalt  }
0x83: {  	_ =	shalt  }
0x84: {  	_ =	shalt  }
0x85: {  	_ =	shalt  }
0x86: {  	_ =	shalt  }
0x87: {  	_ =	shalt  }
.Lfunc_end0:
.L_simem_size_0:
called_computation_lowered:
.L_overlay_start_0:
0x88: {  	s2 =	sld [smem:$0x3FD9]  }
0x89: {  	s3 =	sld [smem:$0x3FFE];
	_ =	sdelay $0x1  }
0x8a: {  	s1 =	srdreg.scid  }
0x8b: {  	s0 =	sand.u32 $0x1, s1  }
0x8c: {  	s17 =	sshll.u32 s0, $0xA;
	s2 =	sadd.s32 s3, s2  }
0x8d: {  	s2 =	sadd.s32 s2, s17  }
0x8e: {  	[smem:$0x3FC5] =	sst s2  }
0x8f: {  	_ = 	snop  }
0x90: {  	s2 =	sld [smem:$0x3FD0];
	(tm) =	ssettm $0x1  }
0x91: {  	s18 =	sld [smem:$0x3FFB];
	_ =	sdelay $0x3  }
0x92: {  	_ =	strace s18  }
0x93: {  	s3 =	sld [smem:$0x3FFC];
	_ =	sdelay $0x3  }
0x94: {  	_ =	strace s3  }
0x95: {  	s3 =	sld [smem:$0x3FFD];
	_ =	sdelay $0x3  }
0x96: {  	_ =	strace s3  }
0x97: {  	_ =	strace $0x8FFFFFFF  }
0x98: {  	s19 =	sld [smem:$0x3FDB];
	_ =	sdelay $0x1  }
0x99: {  	s4 =	simm.s32 $_scs_section_size  }
0x9a: {  	s5 =	simm.s32 $_size__tile_overlayer_lowered;
	s6 =	simm.s32 $_tile_overlayer_lowered  }
0x9b: {  	s22 =	simm.s32 $0x1BFF;
	s21 =	sshll.u32 s6, $0x1;
	s3 =	sadd.s32 s4, s19  }
0x9c: {  	s7 =	simm.s32 $0x0;
	s20 =	sshll.u32 s5, $0x1;
	s5 =	sadd.s32 s21, s3  }
0x9d: {  	[timem:s7], [sflag:s22] =	dma.local [hbm:s5], s20  }
0x9e: {  	_ =	swait.ge [sflag:s22], s20  }
0x9f: {  	s4 =	ssub.s32 $0x0, s20;
	[sflag:s22] =	ssyncset.done $0x0  }
0xa0: {  	[sflag:s22] =	ssyncadd.s32 s4;
	_ =	sdelay $0x1  }
0xa1: {  	s23 =	simm.s32 $0x1B8B  }
0xa2: {  	_ =	swait.ge [sflag:s23], $0x1  }
0xa3: {  	[sflag:s23] =	ssyncset.done $0x0  }
0xa4: {  	s25 =	simm.s32 $0x1B8E;
	s24 =	sld [smem:$0x3FFE];
	[sflag:s23] =	ssyncadd.s32 $0xFFFFFFFF  }
0xa5: {  	s26 =	simm.s32 $execute0_lowered;
	[smem:$0x3FD2] =	sst s25  }
0xa6: {  	s5 =	sshll.u32 s26, $0x1;
	_ =	strace $0x80000046;
	[dreg:$0x1] =	wrdreg $0xFFFFFFFF  }
0xa7: {  	s28 =	simm.s32 $_size_execute0_lowered;
	s3 =	sadd.s32 s3, s5;
	[dreg:$0x0] =	wrdreg $0x0  }
0xa8: {  	s5 =	sshll.u32 s28, $0x1;
	[dreg:$0x2] =	wrdreg s3  }
0xa9: {  	[dreg:$0x3] =	wrdreg s5  }
0xaa: {  	[dreg:$0x4] =	wrdreg $0xC0  }
0xab: {  	_ =	task [dreg:s7], $0x5FFFF  }
0xac: {  	[dreg:$0x1] =	wrdreg $0xFFFFFFFF  }
0xad: {  	[dreg:$0x0] =	wrdreg $0x60  }
0xae: {  	[dreg:$0x2] =	wrdreg s24  }
0xaf: {  	[dreg:$0x3] =	wrdreg s2  }
0xb0: {  	[dreg:$0x4] =	wrdreg $0x9  }
0xb1: {  	_ =	task.clear_ibuf [dreg:s7], $0x5FFFF;
	_ =	strace $0x90000046  }
0xb2: {  	s29 =	simm.s32 $0x9;
	_ =	strace $0x80000048  }
0xb3: {  	_ =	swait.ge [sflag:s29], $0x1  }
0xb4: {  	[sflag:s29] =	ssyncadd.s32 $0xFFFFFFFF  }
0xb5: {  	_ =	strace $0x90000048  }
0xb6: {  	_ =	sfence  }
0xb7: {  	s30 =	sld [smem:$0x0];
	_ =	sdelay $0x2  }
0xb8: {  	s31 =	sshll.u32 s1, $0xD;
	s1 =	sshrl.u32 s1, $0x2  }
0xb9: {  	s3 =	sand.u32 $0x4000, s31;
	s1 =	sadd.s32 s1, s30  }
0xba: {  	s0 =	sor.u32 s3, s0;
	s1 =	sshll.u32 s1, $0x11  }
0xbb: {  	s0 =	sor.u32 s1, s0  }
0xbc: {  	s0 =	sadd.s32 $0x8F2B, s0  }
0xbd: {  	[sflag:s0] =	ssyncadd.remote.s32 $0x1  }
0xbe: {  	_ =	sfence.sel $0xFFFF  }
0xbf: {  	[dreg:$0x0] =	wrdreg $0xFFFFFFFF;
	(pc) =	sbr.abs _section_cstart, $3  }
0xc0: {  	[dreg:$0x1] =	wrdreg $0xFFFFFFFF  }
0xc1: {  	_ =	task.clear_ibuf [dreg:s7], $0x2FFFF;
	_ =	strace $0x9FFFFFFF  }
0xc2: {  	(tm) =	ssettm $0x7FFFFFFF  }
0xc3: {  	_ =	shalt  }
tec
execute0_lowered:
.L_overlay_start_1:
0x0: {  	(tag) =	ssettag $0x1  }
0x1: {  	s4 =	rddreg [dreg:$0x0]  }
0x2: {  	s5 =	rddreg [dreg:$0x1]  }
0x3: {  	s0 =	rddreg [dreg:$0x2];
	s3 =	srdreg.scid  }
0x4: {  	s2 =	simm.s32 $0x0;
	s1 =	stileid.u32;
	s10 =	simm.s32 $0x0  }
0x5: {  	s6 =	sand.u32 $0x1, s3;
	[smem:$0x7FF] =	sst s2;
	s29 =	sshll.u32 s1, $0x8  }
0x6: {  	s3 =	sadd.s32 $0xA00, s4;
	s31 =	sshll.u32 s1, $0x11;
	s7 =	sshll.u32 s6, $0x7  }
0x7: {  	_ =	strace $0x80000047;
	s8 =	ssub.s32 $0x2, s6;
	s5 =	sadd.s32 s31, s5  }
0x8: {  	s6 =	sshll.u32 s6, $0x10;
	s7 =	sor.u32 s7, s29;
	s9 =	sshrl.u32 s8, $0x1  }
0x9: {  	s5 =	sadd.s32 s6, s5;
	s7 =	sshrl.u32 s7, $0x3;
	s30 =	ssub.s32 s8, s9  }
0xa: {  	s8 =	simm.s32 $0x80;
	s9 =	simm.s32 $0x1;
	s7 =	sadd.s32 s7, s4  }
0xb: {  	vm0 =	vmmov $0xff;
	v0 =	vlaneseq.u32;
	s4 =	smax.u32 s30, $0x1;
	s6 =	sadd.s32 $0x800, s7;
	s7 =	simm.s32 $0x2  }
.LBB2_1:
0xc: {  	s11 =	sadd.s32 $0x0, s6  }
0xd: {  	[tilespmem:s2], [sflag:$0x2] =	stream.linear.gather [hbm4b:s11+s2], $0x8, $0x38;
	[tilespmem:$0x8080] =	vst v63  }
0xe: {  	_ =	swait.ge [sflag:s7], $0x8  }
0xf: {  	[sflag:s7] =	ssyncset.done $0x0  }
0x10: {  	[sflag:s7] =	ssyncadd.s32 $0xFFFFFFF8  }
0x11: {  	v1 =	vld.msk [tilespmem:$0x0], $0xff;
	_ =	sdelay $0x4  }
0x12: {  	v1 =	vshll.u32 v1, $0xC  }
0x13: {  	v1 =	vperm.xlane v1, v0;
	_ =	sdelay $0x5  }
0x14: {  	[tilespmem:s8], [sflag:$0x1] =	stream.indirect_vreg.gather [hbm4b:s3+s2], $0x1000, v1, vm0, $0x38;
	[tilespmem:$0x8080] =	vst v63  }
0x15: {  	_ =	swait.ge [sflag:s9], $0x8000  }
0x16: {  	[sflag:s9] =	ssyncset.done $0x0  }
0x17: {  	[sflag:s9] =	ssyncadd.s32 $0xFFFF8000  }
0x18: {  	[hbm4b:s5+s2] =	stream.linear.scatter [tilespmem:s8], [sflag:$0x2], $0x8000, $0x38;
	[tilespmem:$0x8080] =	vst v63  }
0x19: {  	s12 =	simm.s32 $0x1;
	_ =	swait.ge [sflag:s7], $0x8000  }
0x1a: {  	s13 =	simm.s32 $0x2;
	s11 =	sadd.s32 $0x1000, s5;
	[sflag:s7] =	ssyncset.done $0x0  }
.LBB2_2:
0x1b: {  	s14 =	sadd.s32 s12, s6  }
0x1c: {  	[sflag:s7] =	ssyncadd.s32 $0xFFFF8000;
	s12 =	smov.u32 s13;
	s15 =	sadd.s32 $0x1, s13  }
0x1d: {  	[tilespmem:s2], [sflag:$0x2] =	stream.linear.gather [hbm4b:s14+s2], $0x8, $0x38;
	[tilespmem:$0x8080] =	vst v63  }
0x1e: {  	p0 =	sne.s32 s13, $0xF;
	_ =	swait.ge [sflag:s7], $0x8  }
0x1f: {  	[sflag:s7] =	ssyncset.done $0x0  }
0x20: {  	[sflag:s7] =	ssyncadd.s32 $0xFFFFFFF8  }
0x21: {  	v1 =	vld.msk [tilespmem:$0x0], $0xff;
	_ =	sdelay $0x4  }
0x22: {  	v1 =	vshll.u32 v1, $0xC  }
0x23: {  	v1 =	vperm.xlane v1, v0;
	_ =	sdelay $0x5  }
0x24: {  	[tilespmem:s8], [sflag:$0x1] =	stream.indirect_vreg.gather [hbm4b:s3+s2], $0x1000, v1, vm0, $0x38;
	[tilespmem:$0x8080] =	vst v63  }
0x25: {  	_ =	swait.ge [sflag:s9], $0x8000  }
.Ltmp0:
0x26: {  	[sflag:s9] =	ssyncset.done $0x0;
	(pc) =	sbr.rel @p0 .LBB2_2-.Ltmp0, $4  }
0x27: {  	[sflag:s9] =	ssyncadd.s32 $0xFFFF8000  }
0x28: {  	[hbm4b:s11+s2] =	stream.linear.scatter [tilespmem:s8], [sflag:$0x2], $0x8000, $0x38;
	[tilespmem:$0x8080] =	vst v63  }
0x29: {  	_ =	swait.ge [sflag:s7], $0x8000  }
0x2a: {  	s13 =	smov.u32 s15;
	s11 =	sadd.s32 $0x1000, s11;
	[sflag:s7] =	ssyncset.done $0x0  }
0x2b: {  	s12 =	sadd.s32 s12, s6;
	[sflag:s7] =	ssyncadd.s32 $0xFFFF8000  }
0x2c: {  	[tilespmem:s2], [sflag:$0x2] =	stream.linear.gather [hbm4b:s12+s2], $0x8, $0x38;
	[tilespmem:$0x8080] =	vst v63  }
0x2d: {  	_ =	swait.ge [sflag:s7], $0x8  }
0x2e: {  	[sflag:s7] =	ssyncset.done $0x0  }
0x2f: {  	[sflag:s7] =	ssyncadd.s32 $0xFFFFFFF8  }
0x30: {  	v1 =	vld.msk [tilespmem:$0x0], $0xff;
	_ =	sdelay $0x4  }
0x31: {  	v1 =	vshll.u32 v1, $0xC  }
0x32: {  	v1 =	vperm.xlane v1, v0;
	_ =	sdelay $0x5  }
0x33: {  	[tilespmem:s8], [sflag:$0x1] =	stream.indirect_vreg.gather [hbm4b:s3+s2], $0x1000, v1, vm0, $0x38;
	[tilespmem:$0x8080] =	vst v63  }
0x34: {  	s10 =	sadd.s32 $0x1, s10;
	_ =	swait.ge [sflag:s9], $0x8000  }
0x35: {  	p0 =	sne.s32 s10, s4;
	[sflag:s9] =	ssyncset.done $0x0  }
.Ltmp1:
0x36: {  	[sflag:s9] =	ssyncadd.s32 $0xFFFF8000;
	(pc) =	sbr.rel @p0 .LBB2_1-.Ltmp1, $4  }
0x37: {  	[hbm4b:s11+s2] =	stream.linear.scatter [tilespmem:s8], [sflag:$0x2], $0x8000, $0x38;
	[tilespmem:$0x8080] =	vst v63  }
0x38: {  	_ =	swait.ge [sflag:s7], $0x8000  }
0x39: {  	[sflag:s7] =	ssyncset.done $0x0  }
0x3a: {  	[sflag:s7] =	ssyncadd.s32 $0xFFFF8000  }
0x3b: {  	_ =	sfence.sel $0x180000  }
0x3c: {  	[bflag:$0x0] =	sbarrier.arrive $0xFFFF  }
0x3d: {  	p0 =	sne.s32 s1, $0x0;
	_ =	strace $0x90000047  }
0x3e: {  	s0 =	sadd.s32 @!p0 $0x100000, s0;
	[bflag:$0x2] =	sbarrier.arrive $0xFFFF  }
0x3f: {  	[sflag:s0] =	ssyncadd.tile.s32 @!p0 $0x1;
	_ =	shalt  }
.Lfunc_end2:
_tile_overlayer_lowered:
.L_overlay_start_2:
0x40: {  	(tag) =	ssettag $0x2  }
0x41: {  	s0 =	rddreg [dreg:$0x0];
	s2 =	stileid.u32  }
0x42: {  	s1 =	rddreg [dreg:$0x1];
	p0 =	sne.s32 s2, $0x0  }
0x43: {  	s3 =	rddreg [dreg:$0x2];
	[bflag:$0x3] =	sbarrier.arrive $0xFFFF;
	s2 =	simm.s32 @!p0 $0x1C02  }
0x44: {  	[timem:s3], [sflag:s2] =	dma.local @!p0 [hbm:s0], s1  }
0x45: {  	s0 =	simm.s32 @!p0 $0x2  }
0x46: {  	_ =	swait.ge @!p0 [sflag:s0], s1  }
0x47: {  	s1 =	ssub.s32 @!p0 $0x0, s1;
	[sflag:s0] =	ssyncset.done @!p0 $0x0  }
0x48: {  	[sflag:s0] =	ssyncadd.s32 @!p0 s1  }
0x49: {  	[bflag:$0x3] =	sbarrier.arrive $0xFFFF  }
0x4a: {  	_ =	shalt  }

</sc_bundles>
